<compile_context>
chip_gen: v7x
topology: tpu7x:2x2x1
jax: 0.10.2.dev20260603
libtpu: 0.0.44.dev20260713+nightly
codegen_flags: <defaults>
</compile_context>

<pallas_src>
import functools

import jax
import jax.numpy as jnp
from jax import lax
from jax.experimental import pallas as pl
from jax.experimental.pallas import tpu as pltpu
from jax.experimental.pallas import tpu_sc as plsc

_LOG_TWO = 0.6931471805599453

_ERFCC = (0.17087277, -0.82215223, 1.48851587, -1.13520398, 0.27886807,
          -0.18628806, 0.09678418, 0.37409196, 1.00002368)


def _log_erfc(x):
    t = 1.0 / (1.0 + 0.5 * jnp.abs(x))
    p = jnp.full_like(t, _ERFCC[0])
    for c in _ERFCC[1:]:
        p = p * t + c
    pos = -x * x - 1.26551223 + t * p + jnp.log(t)
    neg = jnp.log(2.0 - jnp.exp(pos))
    return jnp.where(x >= 0.0, pos, neg)


def _dense_body(xt_ref, cent_ref, ls_ref, dirs_ref, prm_ref, vals_ref, *,
                blk):
    k, e = dirs_ref.shape
    xt = xt_ref[...]
    cent = cent_ref[...]
    dirs = dirs_ref[...]
    unit = dirs * jax.lax.rsqrt(jnp.sum(dirs * dirs, axis=1, keepdims=True))

    xb = xt.astype(jnp.bfloat16)
    proj = jnp.concatenate([unit, cent], axis=0).astype(jnp.bfloat16)

    cu = jnp.sum(unit * cent, axis=1, keepdims=True)
    c2n = jnp.sum(cent * cent, axis=1, keepdims=True)
    ls = ls_ref[0, 0]

    prm = jnp.transpose(prm_ref[...])
    mu = prm[:, 0:1]
    lsig = prm[:, 1:2]
    llam = prm[:, 2:3]
    als = prm[:, 3:4]

    var = jnp.exp(2.0 * lsig)
    lam = jnp.exp(llam)
    a = mu + lam * var
    s = jnp.exp(-lsig) * (1.0 / jnp.sqrt(2.0))
    c2 = 0.5 * jnp.exp(-2.0 * als)
    c0 = llam - _LOG_TWO - float(e - 1) * als + 0.5 * lam * (mu + a)
    lam2 = jnp.concatenate([lam, lam], axis=0)
    a2 = jnp.concatenate([a, a], axis=0)
    s2 = jnp.concatenate([s, s], axis=0)
    c2_2 = jnp.concatenate([c2, c2], axis=0)
    c0_2 = jnp.concatenate([c0, c0], axis=0)

    hb = blk // 2
    halves = []
    for h in range(2):
        xh = xb[:, h * hb:(h + 1) * hb]
        m1 = jax.lax.dot_general(proj, xh, (((1,), (0,)), ((), ())),
                                 preferred_element_type=jnp.float32)
        sq = jax.lax.dot_general(jnp.ones((1, e), jnp.bfloat16), xh * xh,
                                 (((1,), (0,)), ((), ())),
                                 preferred_element_type=jnp.float32)
        norm2 = sq - 2.0 * m1[k:k + 1] + c2n
        dot = m1[:k] - cu
        halves.append((norm2, dot))

    dot2 = jnp.concatenate([halves[0][1], halves[1][1]], axis=0)
    norm2_2 = jnp.concatenate(
        [jnp.broadcast_to(halves[0][0], (k, hb)),
         jnp.broadcast_to(halves[1][0], (k, hb))], axis=0)

    z = (a2 - dot2) * s2
    art2 = (c0_2 - lam2 * dot2 - c2_2 * (norm2_2 - dot2 * dot2)
            + _log_erfc(z))

    cns = 0.5 * jnp.exp(-2.0 * ls)
    for h in range(2):
        nonart = -float(e) * ls - halves[h][0] * cns
        vals = jnp.concatenate(
            [nonart, art2[h * k:(h + 1) * k],
             jnp.zeros((3, hb), jnp.float32)], axis=0)
        vals_ref[:, h * hb:(h + 1) * hb] = vals


def _dense(alt_flat, cent, ls, dirs, prm):
    r, e = alt_flat.shape
    k = dirs.shape[0]
    blk = 8192
    nblocks = r // blk
    xt = alt_flat.T
    const = lambda *_: (0, 0)
    return pl.pallas_call(
        functools.partial(_dense_body, blk=blk),
        grid=(nblocks,),
        in_specs=[
            pl.BlockSpec((e, blk), lambda i: (0, i)),
            pl.BlockSpec((1, e), const),
            pl.BlockSpec((1, 1), const),
            pl.BlockSpec((k, e), const),
            pl.BlockSpec((5, k), const),
        ],
        out_specs=pl.BlockSpec((k + 4, blk), lambda i: (0, i)),
        out_shape=jax.ShapeDtypeStruct((k + 4, r), jnp.float32),
        compiler_params=pltpu.CompilerParams(
            dimension_semantics=("arbitrary",)),
    )(xt, cent, ls, dirs, prm)


def _segsum_sc(vals8, segment_ids, num_segments):
    nrows, r = vals8.shape
    info = plsc.get_sparse_core_info()
    nc, ns = info.num_cores, info.num_subcores
    nw = nc * ns
    cpw = r // nw
    ngrp = cpw // 16
    mesh = plsc.VectorSubcoreMesh(core_axis_name="c", subcore_axis_name="s")

    nacc = 5 * num_segments * 16
    nv = 5

    @functools.partial(
        pl.kernel, mesh=mesh,
        out_type=jax.ShapeDtypeStruct((nw, nacc), jnp.float32),
        scratch_types=[
            pltpu.VMEM((nrows, cpw), jnp.float32),
            pltpu.VMEM((cpw,), jnp.int32),
            pltpu.VMEM((nacc,), jnp.float32),
        ],
    )
    def k(vals_hbm, ids_hbm, out_hbm, vals_v, ids_v, acc_v):
        wid = lax.axis_index("s") * nc + lax.axis_index("c")
        base = wid * cpw
        pltpu.sync_copy(ids_hbm.at[pl.ds(base, cpw)], ids_v)
        for j in range(nv):
            pltpu.sync_copy(vals_hbm.at[j, pl.ds(base, cpw)], vals_v.at[j])

        zeros16 = jnp.zeros((16,), jnp.float32)
        for j in range(0, nacc, 16):
            acc_v[pl.ds(j, 16)] = zeros16

        def seg_body(b, carry):
            def grp_body(g, ts):
                ids16 = ids_v[pl.ds(g * 16, 16)]
                m = ids16 == b
                return tuple(
                    t + jnp.where(m, vals_v[j, pl.ds(g * 16, 16)], zeros16)
                    for j, t in enumerate(ts))

            ts = lax.fori_loop(0, ngrp, grp_body, (zeros16,) * nv)
            for j in range(nv):
                acc_v[pl.ds(j * (num_segments * 16) + b * 16, 16)] = ts[j]
            return carry

        lo = ids_v[pl.ds(0, 16)][0]
        hi = ids_v[pl.ds(cpw - 16, 16)][15]
        lax.fori_loop(lo, hi + 1, seg_body, 0)
        pltpu.sync_copy(acc_v, out_hbm.at[wid])

    return k(vals8, segment_ids)


def _epilogue_body(part_ref, prm_ref, logits_ref, lks_ref, *, k, b):
    p = jnp.sum(part_ref[...], axis=0, keepdims=True)
    rows = []
    for j in range(k + 1):
        cells = [jnp.sum(p[:, j * b * 16 + s * 16:j * b * 16 + s * 16 + 16],
                         axis=1, keepdims=True) for s in range(b)]
        rows.append(jnp.concatenate(cells, axis=1))
    acc = jnp.concatenate(rows, axis=0)
    prm = jnp.transpose(prm_ref[...])
    lw_col = prm[:, 4:5]
    m = jnp.max(lw_col, axis=0, keepdims=True)
    lw = lw_col - (m + jnp.log(jnp.sum(jnp.exp(lw_col - m), axis=0,
                                       keepdims=True)))
    art_t = acc[1:] + lw
    lks_ref[...] = jnp.concatenate([acc[:1], art_t], axis=0)
    m2 = jnp.max(art_t, axis=0, keepdims=True)
    alse = m2 + jnp.log(jnp.sum(jnp.exp(art_t - m2), axis=0,
                                keepdims=True))
    logits_ref[...] = alse - acc[:1]


def kernel(alt_flat, nonartifact_centroid_e, nonartifact_log_stdev,
           artifact_directions_ke, mu_k, log_sigma_k, log_lambda_k,
           artifact_log_stdev_k, cluster_weights_pre_softmax_k, segment_ids):
    r, e = alt_flat.shape
    k = mu_k.shape[0]
    b = 16

    cent = nonartifact_centroid_e.reshape(1, e)
    ls = nonartifact_log_stdev.reshape(1, 1)
    prm = jnp.stack([mu_k, log_sigma_k, log_lambda_k, artifact_log_stdev_k,
                     cluster_weights_pre_softmax_k], axis=0)

    vals8 = _dense(alt_flat, cent, ls, artifact_directions_ke, prm)
    partials = _segsum_sc(vals8, segment_ids, b)

    const = lambda *_: (0, 0)
    logits_row, lks_t = pl.pallas_call(
        functools.partial(_epilogue_body, k=k, b=b),
        grid=(1,),
        in_specs=[
            pl.BlockSpec((32, 5 * b * 16), const),
            pl.BlockSpec((5, k), const),
        ],
        out_specs=[
            pl.BlockSpec((1, b), const),
            pl.BlockSpec((k + 1, b), const),
        ],
        out_shape=[
            jax.ShapeDtypeStruct((1, b), jnp.float32),
            jax.ShapeDtypeStruct((k + 1, b), jnp.float32),
        ],
    )(partials, prm)
    return (logits_row.reshape(b), lks_t.T)

# --- scband reference (transcript-rebuilt; emitter-appended) ---
"""Pipeline reference for scband-feature-clustering-37580963840133 (READ-ONLY COPY).

The authoritative reference and input builder live on the scoring server;
editing this copy changes nothing except your own understanding.
"""

import jax, jax.numpy as jnp
import numpy as np
from jax.scipy.special import erfc, logsumexp

LOG_TWO = jnp.log(jnp.float32(2.0))

R, E, K, B = 32768, 64, 4, 16

def emg_log_likelihood(x, mu, log_sigma, log_lambda):
    variance = jnp.square(jnp.exp(log_sigma))
    lambd = jnp.exp(log_lambda)
    return log_lambda - LOG_TWO + jnp.log(erfc((mu + lambd * variance - x) / jnp.sqrt(2 * variance))) + lambd / 2 * (2 * mu + lambd * variance - 2 * x)

def setup_inputs(seed: int = 0) -> dict:
    key = jax.random.key(seed)
    ks = jax.random.split(key, 4)
    alt_flat = jax.random.normal(ks[0], (R, E), dtype=jnp.float32)
    segment_ids = jnp.sort(jax.random.randint(ks[1], (R,), 0, B, dtype=jnp.int32))
    nonartifact_centroid_e = jax.random.uniform(ks[2], (E,), dtype=jnp.float32)
    nonartifact_log_stdev = jnp.array(0.0, dtype=jnp.float32)
    artifact_directions_ke = jax.random.uniform(ks[3], (K, E), dtype=jnp.float32)
    mu_k = 2 * jnp.ones((K,), dtype=jnp.float32)
    log_sigma_k = jnp.zeros((K,), dtype=jnp.float32)
    log_lambda_k = jnp.zeros((K,), dtype=jnp.float32)
    artifact_log_stdev_k = jnp.zeros((K,), dtype=jnp.float32)
    cluster_weights_pre_softmax_k = jnp.ones((K,), dtype=jnp.float32)
    return {
        "alt_flat": alt_flat,
        "nonartifact_centroid_e": nonartifact_centroid_e,
        "nonartifact_log_stdev": nonartifact_log_stdev,
        "artifact_directions_ke": artifact_directions_ke,
        "mu_k": mu_k,
        "log_sigma_k": log_sigma_k,
        "log_lambda_k": log_lambda_k,
        "artifact_log_stdev_k": artifact_log_stdev_k,
        "cluster_weights_pre_softmax_k": cluster_weights_pre_softmax_k,
        "segment_ids": segment_ids,
    }

def reference(alt_flat, nonartifact_centroid_e, nonartifact_log_stdev, artifact_directions_ke, mu_k, log_sigma_k, log_lambda_k, artifact_log_stdev_k, cluster_weights_pre_softmax_k, segment_ids):
    feature_dim = alt_flat.shape[1]
    delta_re = alt_flat - nonartifact_centroid_e[None, :]
    nonartifact_dist_r = jnp.linalg.norm(delta_re, axis=-1)
    nonartifact_log_lks_r = -feature_dim * nonartifact_log_stdev - jnp.square(nonartifact_dist_r) / (2 * jnp.square(jnp.exp(nonartifact_log_stdev)))
    unit_ke = artifact_directions_ke / jnp.linalg.norm(artifact_directions_ke, axis=-1, keepdims=True)
    dot_rk = delta_re @ unit_ke.T
    parallel_rke = dot_rk[:, :, None] * unit_ke[None, :, :]
    orthogonal_rke = delta_re[:, None, :] - parallel_rke
    orthogonal_dist_rk = jnp.linalg.norm(orthogonal_rke, axis=-1)
    orthogonal_log_lks_rk = -(feature_dim - 1) * artifact_log_stdev_k[None, :] - jnp.square(orthogonal_dist_rk) / (2 * jnp.square(jnp.exp(artifact_log_stdev_k[None, :])))
    parallel_log_lks_rk = emg_log_likelihood(dot_rk, mu_k[None, :], log_sigma_k[None, :], log_lambda_k[None, :])
    nonartifact_log_lks_rk = nonartifact_log_lks_r[:, None]
    artifact_log_lks_rk = orthogonal_log_lks_rk + parallel_log_lks_rk
    nonartifact_log_lks_bk = jax.ops.segment_sum(nonartifact_log_lks_rk, segment_ids, num_segments=B)
    artifact_log_lks_bk = jax.ops.segment_sum(artifact_log_lks_rk, segment_ids, num_segments=B)
    log_artifact_cluster_weights_k = jax.nn.log_softmax(cluster_weights_pre_softmax_k)
    artifact_log_lks_bk = artifact_log_lks_bk + log_artifact_cluster_weights_k[None, :]
    log_lks_bk = jnp.concatenate((nonartifact_log_lks_bk, artifact_log_lks_bk), axis=-1)
    artifact_log_lk_b = logsumexp(log_lks_bk[:, 1:], axis=-1)
    non_artifact_log_lk_b = log_lks_bk[:, 0]
    logits_b = artifact_log_lk_b - non_artifact_log_lk_b
    return (logits_b, log_lks_bk)

if __name__ == "__main__":
    import jax
    _d = setup_inputs()
    print(jax.jit(kernel)(*tuple(_d.values())))

</pallas_src>

<mosaic_0001>
#map = affine_map<(d0, d1) -> (0, 0)>
#map1 = affine_map<(d0, d1) -> (0)>
module attributes {stable_mosaic.version = 14 : i64} {
  func.func @k(%arg0: i32, %arg1: i32, %arg2: memref<8x32768xf32, #tpu.memory_space<hbm>>, %arg3: memref<32768xi32, #tpu.memory_space<hbm>>, %arg4: memref<32x1280xf32, #tpu.memory_space<hbm>>, %arg5: memref<8x1024xf32, #tpu.memory_space<vmem>>, %arg6: memref<1024xi32, #tpu.memory_space<vmem>>, %arg7: memref<1280xf32, #tpu.memory_space<vmem>>) attributes {dimension_semantics = [#tpu.dimension_semantics<core_parallel>, #tpu.dimension_semantics<subcore_parallel>], iteration_bounds = array<i64: 2, 16>, scalar_prefetch = 0 : i64, scratch_operands = 3 : i64, tpu.core_type = #tpu.core_type<sc_vector_subcore>, window_params = [{transform_indices = #map}, {transform_indices = #map1}, {transform_indices = #map}]} {
    %mul3A = arith.constant 2 : i32
    %mul3A_0 = arith.muli %arg1, %mul3A : i32
    %add3A = arith.addi %mul3A_0, %arg0 : i32
    %mul3A_1 = arith.constant 1024 : i32
    %mul3A_2 = arith.muli %add3A, %mul3A_1 : i32
    "tpu.region"() ({
      %run_scoped3A_349 = tpu.sem_alloc : memref<!tpu.dma_semaphore, #tpu.memory_space<semaphore_mem>>
      %dma_start3A = tpu.memref_slice %arg3[%mul3A_2] : memref<32768xi32, #tpu.memory_space<hbm>> -> memref<1024xi32, #tpu.memory_space<hbm>>
      %dma_start3A_350 = tpu.memref_slice %arg3[%mul3A_2] : memref<32768xi32, #tpu.memory_space<hbm>> -> memref<1024xi32, #tpu.memory_space<hbm>>
      tpu.enqueue_dma source(%dma_start3A_350 : memref<1024xi32, #tpu.memory_space<hbm>>) target(%arg6 : memref<1024xi32, #tpu.memory_space<vmem>>) target_semaphore(%run_scoped3A_349 : memref<!tpu.dma_semaphore, #tpu.memory_space<semaphore_mem>>)
      %dma_wait3A = tpu.memref_slice %arg3[%mul3A_2] : memref<32768xi32, #tpu.memory_space<hbm>> -> memref<1024xi32, #tpu.memory_space<hbm>>
      %dma_wait3A_351 = tpu.memref_slice %arg3[%mul3A_2] : memref<32768xi32, #tpu.memory_space<hbm>> -> memref<1024xi32, #tpu.memory_space<hbm>>
      tpu.wait_dma2 semaphore(%run_scoped3A_349 : memref<!tpu.dma_semaphore, #tpu.memory_space<semaphore_mem>>) src(%dma_wait3A_351 : memref<1024xi32, #tpu.memory_space<hbm>>) dst(%arg6 : memref<1024xi32, #tpu.memory_space<vmem>>)
      tpu.yield
    }) : () -> ()
    %run_scoped3A = arith.constant 0 : i32
    %run_scoped3A_3 = arith.constant 0 : i32
    "tpu.region"() ({
      %run_scoped3A_349 = tpu.sem_alloc : memref<!tpu.dma_semaphore, #tpu.memory_space<semaphore_mem>>
      %dma_start3A = arith.constant 0 : i32
      %dma_start3A_350 = tpu.memref_slice %arg5[%run_scoped3A_3, %dma_start3A] : memref<8x1024xf32, #tpu.memory_space<vmem>> -> memref<1x1024xf32, #tpu.memory_space<vmem>>
      %dma_start3A_351 = tpu.memref_squeeze %dma_start3A_350 : memref<1x1024xf32, #tpu.memory_space<vmem>> -> memref<1024xf32, #tpu.memory_space<vmem>>
      %dma_start3A_352 = tpu.memref_slice %arg2[%run_scoped3A, %mul3A_2] : memref<8x32768xf32, #tpu.memory_space<hbm>> -> memref<1x1024xf32, #tpu.memory_space<hbm>>
      %dma_start3A_353 = tpu.memref_squeeze %dma_start3A_352 : memref<1x1024xf32, #tpu.memory_space<hbm>> -> memref<1024xf32, #tpu.memory_space<hbm>>
      %dma_start3A_354 = arith.constant 0 : i32
      %dma_start3A_355 = tpu.memref_slice %arg5[%run_scoped3A_3, %dma_start3A_354] : memref<8x1024xf32, #tpu.memory_space<vmem>> -> memref<1x1024xf32, #tpu.memory_space<vmem>>
      %dma_start3A_356 = tpu.memref_squeeze %dma_start3A_355 : memref<1x1024xf32, #tpu.memory_space<vmem>> -> memref<1024xf32, #tpu.memory_space<vmem>>
      %dma_start3A_357 = tpu.memref_slice %arg2[%run_scoped3A, %mul3A_2] : memref<8x32768xf32, #tpu.memory_space<hbm>> -> memref<1x1024xf32, #tpu.memory_space<hbm>>
      %dma_start3A_358 = tpu.memref_squeeze %dma_start3A_357 : memref<1x1024xf32, #tpu.memory_space<hbm>> -> memref<1024xf32, #tpu.memory_space<hbm>>
      tpu.enqueue_dma source(%dma_start3A_358 : memref<1024xf32, #tpu.memory_space<hbm>>) target(%dma_start3A_356 : memref<1024xf32, #tpu.memory_space<vmem>>) target_semaphore(%run_scoped3A_349 : memref<!tpu.dma_semaphore, #tpu.memory_space<semaphore_mem>>)
      %dma_wait3A = arith.constant 0 : i32
      %dma_wait3A_359 = tpu.memref_slice %arg5[%run_scoped3A_3, %dma_wait3A] : memref<8x1024xf32, #tpu.memory_space<vmem>> -> memref<1x1024xf32, #tpu.memory_space<vmem>>
      %dma_wait3A_360 = tpu.memref_squeeze %dma_wait3A_359 : memref<1x1024xf32, #tpu.memory_space<vmem>> -> memref<1024xf32, #tpu.memory_space<vmem>>
      %dma_wait3A_361 = tpu.memref_slice %arg2[%run_scoped3A, %mul3A_2] : memref<8x32768xf32, #tpu.memory_space<hbm>> -> memref<1x1024xf32, #tpu.memory_space<hbm>>
      %dma_wait3A_362 = tpu.memref_squeeze %dma_wait3A_361 : memref<1x1024xf32, #tpu.memory_space<hbm>> -> memref<1024xf32, #tpu.memory_space<hbm>>
      %dma_wait3A_363 = arith.constant 0 : i32
      %dma_wait3A_364 = tpu.memref_slice %arg5[%run_scoped3A_3, %dma_wait3A_363] : memref<8x1024xf32, #tpu.memory_space<vmem>> -> memref<1x1024xf32, #tpu.memory_space<vmem>>
      %dma_wait3A_365 = tpu.memref_squeeze %dma_wait3A_364 : memref<1x1024xf32, #tpu.memory_space<vmem>> -> memref<1024xf32, #tpu.memory_space<vmem>>
      %dma_wait3A_366 = tpu.memref_slice %arg2[%run_scoped3A, %mul3A_2] : memref<8x32768xf32, #tpu.memory_space<hbm>> -> memref<1x1024xf32, #tpu.memory_space<hbm>>
      %dma_wait3A_367 = tpu.memref_squeeze %dma_wait3A_366 : memref<1x1024xf32, #tpu.memory_space<hbm>> -> memref<1024xf32, #tpu.memory_space<hbm>>
      tpu.wait_dma2 semaphore(%run_scoped3A_349 : memref<!tpu.dma_semaphore, #tpu.memory_space<semaphore_mem>>) src(%dma_wait3A_367 : memref<1024xf32, #tpu.memory_space<hbm>>) dst(%dma_wait3A_365 : memref<1024xf32, #tpu.memory_space<vmem>>)
      tpu.yield
    }) : () -> ()
    %run_scoped3A_4 = arith.constant 1 : i32
    %run_scoped3A_5 = arith.constant 1 : i32
    "tpu.region"() ({
      %run_scoped3A_349 = tpu.sem_alloc : memref<!tpu.dma_semaphore, #tpu.memory_space<semaphore_mem>>
      %dma_start3A = arith.constant 0 : i32
      %dma_start3A_350 = tpu.memref_slice %arg5[%run_scoped3A_5, %dma_start3A] : memref<8x1024xf32, #tpu.memory_space<vmem>> -> memref<1x1024xf32, #tpu.memory_space<vmem>>
      %dma_start3A_351 = tpu.memref_squeeze %dma_start3A_350 : memref<1x1024xf32, #tpu.memory_space<vmem>> -> memref<1024xf32, #tpu.memory_space<vmem>>
      %dma_start3A_352 = tpu.memref_slice %arg2[%run_scoped3A_4, %mul3A_2] : memref<8x32768xf32, #tpu.memory_space<hbm>> -> memref<1x1024xf32, #tpu.memory_space<hbm>>
      %dma_start3A_353 = tpu.memref_squeeze %dma_start3A_352 : memref<1x1024xf32, #tpu.memory_space<hbm>> -> memref<1024xf32, #tpu.memory_space<hbm>>
      %dma_start3A_354 = arith.constant 0 : i32
      %dma_start3A_355 = tpu.memref_slice %arg5[%run_scoped3A_5, %dma_start3A_354] : memref<8x1024xf32, #tpu.memory_space<vmem>> -> memref<1x1024xf32, #tpu.memory_space<vmem>>
      %dma_start3A_356 = tpu.memref_squeeze %dma_start3A_355 : memref<1x1024xf32, #tpu.memory_space<vmem>> -> memref<1024xf32, #tpu.memory_space<vmem>>
      %dma_start3A_357 = tpu.memref_slice %arg2[%run_scoped3A_4, %mul3A_2] : memref<8x32768xf32, #tpu.memory_space<hbm>> -> memref<1x1024xf32, #tpu.memory_space<hbm>>
      %dma_start3A_358 = tpu.memref_squeeze %dma_start3A_357 : memref<1x1024xf32, #tpu.memory_space<hbm>> -> memref<1024xf32, #tpu.memory_space<hbm>>
      tpu.enqueue_dma source(%dma_start3A_358 : memref<1024xf32, #tpu.memory_space<hbm>>) target(%dma_start3A_356 : memref<1024xf32, #tpu.memory_space<vmem>>) target_semaphore(%run_scoped3A_349 : memref<!tpu.dma_semaphore, #tpu.memory_space<semaphore_mem>>)
      %dma_wait3A = arith.constant 0 : i32
      %dma_wait3A_359 = tpu.memref_slice %arg5[%run_scoped3A_5, %dma_wait3A] : memref<8x1024xf32, #tpu.memory_space<vmem>> -> memref<1x1024xf32, #tpu.memory_space<vmem>>
      %dma_wait3A_360 = tpu.memref_squeeze %dma_wait3A_359 : memref<1x1024xf32, #tpu.memory_space<vmem>> -> memref<1024xf32, #tpu.memory_space<vmem>>
      %dma_wait3A_361 = tpu.memref_slice %arg2[%run_scoped3A_4, %mul3A_2] : memref<8x32768xf32, #tpu.memory_space<hbm>> -> memref<1x1024xf32, #tpu.memory_space<hbm>>
      %dma_wait3A_362 = tpu.memref_squeeze %dma_wait3A_361 : memref<1x1024xf32, #tpu.memory_space<hbm>> -> memref<1024xf32, #tpu.memory_space<hbm>>
      %dma_wait3A_363 = arith.constant 0 : i32
      %dma_wait3A_364 = tpu.memref_slice %arg5[%run_scoped3A_5, %dma_wait3A_363] : memref<8x1024xf32, #tpu.memory_space<vmem>> -> memref<1x1024xf32, #tpu.memory_space<vmem>>
      %dma_wait3A_365 = tpu.memref_squeeze %dma_wait3A_364 : memref<1x1024xf32, #tpu.memory_space<vmem>> -> memref<1024xf32, #tpu.memory_space<vmem>>
      %dma_wait3A_366 = tpu.memref_slice %arg2[%run_scoped3A_4, %mul3A_2] : memref<8x32768xf32, #tpu.memory_space<hbm>> -> memref<1x1024xf32, #tpu.memory_space<hbm>>
      %dma_wait3A_367 = tpu.memref_squeeze %dma_wait3A_366 : memref<1x1024xf32, #tpu.memory_space<hbm>> -> memref<1024xf32, #tpu.memory_space<hbm>>
      tpu.wait_dma2 semaphore(%run_scoped3A_349 : memref<!tpu.dma_semaphore, #tpu.memory_space<semaphore_mem>>) src(%dma_wait3A_367 : memref<1024xf32, #tpu.memory_space<hbm>>) dst(%dma_wait3A_365 : memref<1024xf32, #tpu.memory_space<vmem>>)
      tpu.yield
    }) : () -> ()
    %run_scoped3A_6 = arith.constant 2 : i32
    %run_scoped3A_7 = arith.constant 2 : i32
    "tpu.region"() ({
      %run_scoped3A_349 = tpu.sem_alloc : memref<!tpu.dma_semaphore, #tpu.memory_space<semaphore_mem>>
      %dma_start3A = arith.constant 0 : i32
      %dma_start3A_350 = tpu.memref_slice %arg5[%run_scoped3A_7, %dma_start3A] : memref<8x1024xf32, #tpu.memory_space<vmem>> -> memref<1x1024xf32, #tpu.memory_space<vmem>>
      %dma_start3A_351 = tpu.memref_squeeze %dma_start3A_350 : memref<1x1024xf32, #tpu.memory_space<vmem>> -> memref<1024xf32, #tpu.memory_space<vmem>>
      %dma_start3A_352 = tpu.memref_slice %arg2[%run_scoped3A_6, %mul3A_2] : memref<8x32768xf32, #tpu.memory_space<hbm>> -> memref<1x1024xf32, #tpu.memory_space<hbm>>
      %dma_start3A_353 = tpu.memref_squeeze %dma_start3A_352 : memref<1x1024xf32, #tpu.memory_space<hbm>> -> memref<1024xf32, #tpu.memory_space<hbm>>
      %dma_start3A_354 = arith.constant 0 : i32
      %dma_start3A_355 = tpu.memref_slice %arg5[%run_scoped3A_7, %dma_start3A_354] : memref<8x1024xf32, #tpu.memory_space<vmem>> -> memref<1x1024xf32, #tpu.memory_space<vmem>>
      %dma_start3A_356 = tpu.memref_squeeze %dma_start3A_355 : memref<1x1024xf32, #tpu.memory_space<vmem>> -> memref<1024xf32, #tpu.memory_space<vmem>>
      %dma_start3A_357 = tpu.memref_slice %arg2[%run_scoped3A_6, %mul3A_2] : memref<8x32768xf32, #tpu.memory_space<hbm>> -> memref<1x1024xf32, #tpu.memory_space<hbm>>
      %dma_start3A_358 = tpu.memref_squeeze %dma_start3A_357 : memref<1x1024xf32, #tpu.memory_space<hbm>> -> memref<1024xf32, #tpu.memory_space<hbm>>
      tpu.enqueue_dma source(%dma_start3A_358 : memref<1024xf32, #tpu.memory_space<hbm>>) target(%dma_start3A_356 : memref<1024xf32, #tpu.memory_space<vmem>>) target_semaphore(%run_scoped3A_349 : memref<!tpu.dma_semaphore, #tpu.memory_space<semaphore_mem>>)
      %dma_wait3A = arith.constant 0 : i32
      %dma_wait3A_359 = tpu.memref_slice %arg5[%run_scoped3A_7, %dma_wait3A] : memref<8x1024xf32, #tpu.memory_space<vmem>> -> memref<1x1024xf32, #tpu.memory_space<vmem>>
      %dma_wait3A_360 = tpu.memref_squeeze %dma_wait3A_359 : memref<1x1024xf32, #tpu.memory_space<vmem>> -> memref<1024xf32, #tpu.memory_space<vmem>>
      %dma_wait3A_361 = tpu.memref_slice %arg2[%run_scoped3A_6, %mul3A_2] : memref<8x32768xf32, #tpu.memory_space<hbm>> -> memref<1x1024xf32, #tpu.memory_space<hbm>>
      %dma_wait3A_362 = tpu.memref_squeeze %dma_wait3A_361 : memref<1x1024xf32, #tpu.memory_space<hbm>> -> memref<1024xf32, #tpu.memory_space<hbm>>
      %dma_wait3A_363 = arith.constant 0 : i32
      %dma_wait3A_364 = tpu.memref_slice %arg5[%run_scoped3A_7, %dma_wait3A_363] : memref<8x1024xf32, #tpu.memory_space<vmem>> -> memref<1x1024xf32, #tpu.memory_space<vmem>>
      %dma_wait3A_365 = tpu.memref_squeeze %dma_wait3A_364 : memref<1x1024xf32, #tpu.memory_space<vmem>> -> memref<1024xf32, #tpu.memory_space<vmem>>
      %dma_wait3A_366 = tpu.memref_slice %arg2[%run_scoped3A_6, %mul3A_2] : memref<8x32768xf32, #tpu.memory_space<hbm>> -> memref<1x1024xf32, #tpu.memory_space<hbm>>
      %dma_wait3A_367 = tpu.memref_squeeze %dma_wait3A_366 : memref<1x1024xf32, #tpu.memory_space<hbm>> -> memref<1024xf32, #tpu.memory_space<hbm>>
      tpu.wait_dma2 semaphore(%run_scoped3A_349 : memref<!tpu.dma_semaphore, #tpu.memory_space<semaphore_mem>>) src(%dma_wait3A_367 : memref<1024xf32, #tpu.memory_space<hbm>>) dst(%dma_wait3A_365 : memref<1024xf32, #tpu.memory_space<vmem>>)
      tpu.yield
    }) : () -> ()
    %run_scoped3A_8 = arith.constant 3 : i32
    %run_scoped3A_9 = arith.constant 3 : i32
    "tpu.region"() ({
      %run_scoped3A_349 = tpu.sem_alloc : memref<!tpu.dma_semaphore, #tpu.memory_space<semaphore_mem>>
      %dma_start3A = arith.constant 0 : i32
      %dma_start3A_350 = tpu.memref_slice %arg5[%run_scoped3A_9, %dma_start3A] : memref<8x1024xf32, #tpu.memory_space<vmem>> -> memref<1x1024xf32, #tpu.memory_space<vmem>>
      %dma_start3A_351 = tpu.memref_squeeze %dma_start3A_350 : memref<1x1024xf32, #tpu.memory_space<vmem>> -> memref<1024xf32, #tpu.memory_space<vmem>>
      %dma_start3A_352 = tpu.memref_slice %arg2[%run_scoped3A_8, %mul3A_2] : memref<8x32768xf32, #tpu.memory_space<hbm>> -> memref<1x1024xf32, #tpu.memory_space<hbm>>
      %dma_start3A_353 = tpu.memref_squeeze %dma_start3A_352 : memref<1x1024xf32, #tpu.memory_space<hbm>> -> memref<1024xf32, #tpu.memory_space<hbm>>
      %dma_start3A_354 = arith.constant 0 : i32
      %dma_start3A_355 = tpu.memref_slice %arg5[%run_scoped3A_9, %dma_start3A_354] : memref<8x1024xf32, #tpu.memory_space<vmem>> -> memref<1x1024xf32, #tpu.memory_space<vmem>>
      %dma_start3A_356 = tpu.memref_squeeze %dma_start3A_355 : memref<1x1024xf32, #tpu.memory_space<vmem>> -> memref<1024xf32, #tpu.memory_space<vmem>>
      %dma_start3A_357 = tpu.memref_slice %arg2[%run_scoped3A_8, %mul3A_2] : memref<8x32768xf32, #tpu.memory_space<hbm>> -> memref<1x1024xf32, #tpu.memory_space<hbm>>
      %dma_start3A_358 = tpu.memref_squeeze %dma_start3A_357 : memref<1x1024xf32, #tpu.memory_space<hbm>> -> memref<1024xf32, #tpu.memory_space<hbm>>
      tpu.enqueue_dma source(%dma_start3A_358 : memref<1024xf32, #tpu.memory_space<hbm>>) target(%dma_start3A_356 : memref<1024xf32, #tpu.memory_space<vmem>>) target_semaphore(%run_scoped3A_349 : memref<!tpu.dma_semaphore, #tpu.memory_space<semaphore_mem>>)
      %dma_wait3A = arith.constant 0 : i32
      %dma_wait3A_359 = tpu.memref_slice %arg5[%run_scoped3A_9, %dma_wait3A] : memref<8x1024xf32, #tpu.memory_space<vmem>> -> memref<1x1024xf32, #tpu.memory_space<vmem>>
      %dma_wait3A_360 = tpu.memref_squeeze %dma_wait3A_359 : memref<1x1024xf32, #tpu.memory_space<vmem>> -> memref<1024xf32, #tpu.memory_space<vmem>>
      %dma_wait3A_361 = tpu.memref_slice %arg2[%run_scoped3A_8, %mul3A_2] : memref<8x32768xf32, #tpu.memory_space<hbm>> -> memref<1x1024xf32, #tpu.memory_space<hbm>>
      %dma_wait3A_362 = tpu.memref_squeeze %dma_wait3A_361 : memref<1x1024xf32, #tpu.memory_space<hbm>> -> memref<1024xf32, #tpu.memory_space<hbm>>
      %dma_wait3A_363 = arith.constant 0 : i32
      %dma_wait3A_364 = tpu.memref_slice %arg5[%run_scoped3A_9, %dma_wait3A_363] : memref<8x1024xf32, #tpu.memory_space<vmem>> -> memref<1x1024xf32, #tpu.memory_space<vmem>>
      %dma_wait3A_365 = tpu.memref_squeeze %dma_wait3A_364 : memref<1x1024xf32, #tpu.memory_space<vmem>> -> memref<1024xf32, #tpu.memory_space<vmem>>
      %dma_wait3A_366 = tpu.memref_slice %arg2[%run_scoped3A_8, %mul3A_2] : memref<8x32768xf32, #tpu.memory_space<hbm>> -> memref<1x1024xf32, #tpu.memory_space<hbm>>
      %dma_wait3A_367 = tpu.memref_squeeze %dma_wait3A_366 : memref<1x1024xf32, #tpu.memory_space<hbm>> -> memref<1024xf32, #tpu.memory_space<hbm>>
      tpu.wait_dma2 semaphore(%run_scoped3A_349 : memref<!tpu.dma_semaphore, #tpu.memory_space<semaphore_mem>>) src(%dma_wait3A_367 : memref<1024xf32, #tpu.memory_space<hbm>>) dst(%dma_wait3A_365 : memref<1024xf32, #tpu.memory_space<vmem>>)
      tpu.yield
    }) : () -> ()
    %run_scoped3A_10 = arith.constant 4 : i32
    %run_scoped3A_11 = arith.constant 4 : i32
    "tpu.region"() ({
      %run_scoped3A_349 = tpu.sem_alloc : memref<!tpu.dma_semaphore, #tpu.memory_space<semaphore_mem>>
      %dma_start3A = arith.constant 0 : i32
      %dma_start3A_350 = tpu.memref_slice %arg5[%run_scoped3A_11, %dma_start3A] : memref<8x1024xf32, #tpu.memory_space<vmem>> -> memref<1x1024xf32, #tpu.memory_space<vmem>>
      %dma_start3A_351 = tpu.memref_squeeze %dma_start3A_350 : memref<1x1024xf32, #tpu.memory_space<vmem>> -> memref<1024xf32, #tpu.memory_space<vmem>>
      %dma_start3A_352 = tpu.memref_slice %arg2[%run_scoped3A_10, %mul3A_2] : memref<8x32768xf32, #tpu.memory_space<hbm>> -> memref<1x1024xf32, #tpu.memory_space<hbm>>
      %dma_start3A_353 = tpu.memref_squeeze %dma_start3A_352 : memref<1x1024xf32, #tpu.memory_space<hbm>> -> memref<1024xf32, #tpu.memory_space<hbm>>
      %dma_start3A_354 = arith.constant 0 : i32
      %dma_start3A_355 = tpu.memref_slice %arg5[%run_scoped3A_11, %dma_start3A_354] : memref<8x1024xf32, #tpu.memory_space<vmem>> -> memref<1x1024xf32, #tpu.memory_space<vmem>>
      %dma_start3A_356 = tpu.memref_squeeze %dma_start3A_355 : memref<1x1024xf32, #tpu.memory_space<vmem>> -> memref<1024xf32, #tpu.memory_space<vmem>>
      %dma_start3A_357 = tpu.memref_slice %arg2[%run_scoped3A_10, %mul3A_2] : memref<8x32768xf32, #tpu.memory_space<hbm>> -> memref<1x1024xf32, #tpu.memory_space<hbm>>
      %dma_start3A_358 = tpu.memref_squeeze %dma_start3A_357 : memref<1x1024xf32, #tpu.memory_space<hbm>> -> memref<1024xf32, #tpu.memory_space<hbm>>
      tpu.enqueue_dma source(%dma_start3A_358 : memref<1024xf32, #tpu.memory_space<hbm>>) target(%dma_start3A_356 : memref<1024xf32, #tpu.memory_space<vmem>>) target_semaphore(%run_scoped3A_349 : memref<!tpu.dma_semaphore, #tpu.memory_space<semaphore_mem>>)
      %dma_wait3A = arith.constant 0 : i32
      %dma_wait3A_359 = tpu.memref_slice %arg5[%run_scoped3A_11, %dma_wait3A] : memref<8x1024xf32, #tpu.memory_space<vmem>> -> memref<1x1024xf32, #tpu.memory_space<vmem>>
      %dma_wait3A_360 = tpu.memref_squeeze %dma_wait3A_359 : memref<1x1024xf32, #tpu.memory_space<vmem>> -> memref<1024xf32, #tpu.memory_space<vmem>>
      %dma_wait3A_361 = tpu.memref_slice %arg2[%run_scoped3A_10, %mul3A_2] : memref<8x32768xf32, #tpu.memory_space<hbm>> -> memref<1x1024xf32, #tpu.memory_space<hbm>>
      %dma_wait3A_362 = tpu.memref_squeeze %dma_wait3A_361 : memref<1x1024xf32, #tpu.memory_space<hbm>> -> memref<1024xf32, #tpu.memory_space<hbm>>
      %dma_wait3A_363 = arith.constant 0 : i32
      %dma_wait3A_364 = tpu.memref_slice %arg5[%run_scoped3A_11, %dma_wait3A_363] : memref<8x1024xf32, #tpu.memory_space<vmem>> -> memref<1x1024xf32, #tpu.memory_space<vmem>>
      %dma_wait3A_365 = tpu.memref_squeeze %dma_wait3A_364 : memref<1x1024xf32, #tpu.memory_space<vmem>> -> memref<1024xf32, #tpu.memory_space<vmem>>
      %dma_wait3A_366 = tpu.memref_slice %arg2[%run_scoped3A_10, %mul3A_2] : memref<8x32768xf32, #tpu.memory_space<hbm>> -> memref<1x1024xf32, #tpu.memory_space<hbm>>
      %dma_wait3A_367 = tpu.memref_squeeze %dma_wait3A_366 : memref<1x1024xf32, #tpu.memory_space<hbm>> -> memref<1024xf32, #tpu.memory_space<hbm>>
      tpu.wait_dma2 semaphore(%run_scoped3A_349 : memref<!tpu.dma_semaphore, #tpu.memory_space<semaphore_mem>>) src(%dma_wait3A_367 : memref<1024xf32, #tpu.memory_space<hbm>>) dst(%dma_wait3A_365 : memref<1024xf32, #tpu.memory_space<vmem>>)
      tpu.yield
    }) : () -> ()
    %broadcast_in_dim3A = arith.constant 0.000000e+00 : f32
    %broadcast_in_dim3A_12 = vector.broadcast %broadcast_in_dim3A : f32 to vector<16xf32>
    %swap3A = arith.constant 0 : index
    %swap3A_13 = tpu.vector_load %arg7[%swap3A] {strides = array<i32>} : memref<1280xf32, #tpu.memory_space<vmem>>, vector<16xf32>,
    %swap3A_14 = vector.shape_cast %swap3A_13 : vector<16xf32> to vector<16xf32>
    %swap3A_15 = vector.shape_cast %broadcast_in_dim3A_12 : vector<16xf32> to vector<16xf32>
    tpu.vector_store %arg7[%swap3A], %swap3A_15 {strides = array<i32>} : memref<1280xf32, #tpu.memory_space<vmem>>, vector<16xf32>,
    %swap3A_16 = arith.constant 16 : index
    %swap3A_17 = tpu.vector_load %arg7[%swap3A_16] {strides = array<i32>} : memref<1280xf32, #tpu.memory_space<vmem>>, vector<16xf32>,
    %swap3A_18 = vector.shape_cast %swap3A_17 : vector<16xf32> to vector<16xf32>
    %swap3A_19 = vector.shape_cast %broadcast_in_dim3A_12 : vector<16xf32> to vector<16xf32>
    tpu.vector_store %arg7[%swap3A_16], %swap3A_19 {strides = array<i32>} : memref<1280xf32, #tpu.memory_space<vmem>>, vector<16xf32>,
    %swap3A_20 = arith.constant 32 : index
    %swap3A_21 = tpu.vector_load %arg7[%swap3A_20] {strides = array<i32>} : memref<1280xf32, #tpu.memory_space<vmem>>, vector<16xf32>,
    %swap3A_22 = vector.shape_cast %swap3A_21 : vector<16xf32> to vector<16xf32>
    %swap3A_23 = vector.shape_cast %broadcast_in_dim3A_12 : vector<16xf32> to vector<16xf32>
    tpu.vector_store %arg7[%swap3A_20], %swap3A_23 {strides = array<i32>} : memref<1280xf32, #tpu.memory_space<vmem>>, vector<16xf32>,
    %swap3A_24 = arith.constant 48 : index
    %swap3A_25 = tpu.vector_load %arg7[%swap3A_24] {strides = array<i32>} : memref<1280xf32, #tpu.memory_space<vmem>>, vector<16xf32>,
    %swap3A_26 = vector.shape_cast %swap3A_25 : vector<16xf32> to vector<16xf32>
    %swap3A_27 = vector.shape_cast %broadcast_in_dim3A_12 : vector<16xf32> to vector<16xf32>
    tpu.vector_store %arg7[%swap3A_24], %swap3A_27 {strides = array<i32>} : memref<1280xf32, #tpu.memory_space<vmem>>, vector<16xf32>,
    %swap3A_28 = arith.constant 64 : index
    %swap3A_29 = tpu.vector_load %arg7[%swap3A_28] {strides = array<i32>} : memref<1280xf32, #tpu.memory_space<vmem>>, vector<16xf32>,
    %swap3A_30 = vector.shape_cast %swap3A_29 : vector<16xf32> to vector<16xf32>
    %swap3A_31 = vector.shape_cast %broadcast_in_dim3A_12 : vector<16xf32> to vector<16xf32>
    tpu.vector_store %arg7[%swap3A_28], %swap3A_31 {strides = array<i32>} : memref<1280xf32, #tpu.memory_space<vmem>>, vector<16xf32>,
    %swap3A_32 = arith.constant 80 : index
    %swap3A_33 = tpu.vector_load %arg7[%swap3A_32] {strides = array<i32>} : memref<1280xf32, #tpu.memory_space<vmem>>, vector<16xf32>,
    %swap3A_34 = vector.shape_cast %swap3A_33 : vector<16xf32> to vector<16xf32>
    %swap3A_35 = vector.shape_cast %broadcast_in_dim3A_12 : vector<16xf32> to vector<16xf32>
    tpu.vector_store %arg7[%swap3A_32], %swap3A_35 {strides = array<i32>} : memref<1280xf32, #tpu.memory_space<vmem>>, vector<16xf32>,
    %swap3A_36 = arith.constant 96 : index
    %swap3A_37 = tpu.vector_load %arg7[%swap3A_36] {strides = array<i32>} : memref<1280xf32, #tpu.memory_space<vmem>>, vector<16xf32>,
    %swap3A_38 = vector.shape_cast %swap3A_37 : vector<16xf32> to vector<16xf32>
    %swap3A_39 = vector.shape_cast %broadcast_in_dim3A_12 : vector<16xf32> to vector<16xf32>
    tpu.vector_store %arg7[%swap3A_36], %swap3A_39 {strides = array<i32>} : memref<1280xf32, #tpu.memory_space<vmem>>, vector<16xf32>,
    %swap3A_40 = arith.constant 112 : index
    %swap3A_41 = tpu.vector_load %arg7[%swap3A_40] {strides = array<i32>} : memref<1280xf32, #tpu.memory_space<vmem>>, vector<16xf32>,
    %swap3A_42 = vector.shape_cast %swap3A_41 : vector<16xf32> to vector<16xf32>
    %swap3A_43 = vector.shape_cast %broadcast_in_dim3A_12 : vector<16xf32> to vector<16xf32>
    tpu.vector_store %arg7[%swap3A_40], %swap3A_43 {strides = array<i32>} : memref<1280xf32, #tpu.memory_space<vmem>>, vector<16xf32>,
    %swap3A_44 = arith.constant 128 : index
    %swap3A_45 = tpu.vector_load %arg7[%swap3A_44] {strides = array<i32>} : memref<1280xf32, #tpu.memory_space<vmem>>, vector<16xf32>,
    %swap3A_46 = vector.shape_cast %swap3A_45 : vector<16xf32> to vector<16xf32>
    %swap3A_47 = vector.shape_cast %broadcast_in_dim3A_12 : vector<16xf32> to vector<16xf32>
    tpu.vector_store %arg7[%swap3A_44], %swap3A_47 {strides = array<i32>} : memref<1280xf32, #tpu.memory_space<vmem>>, vector<16xf32>,
    %swap3A_48 = arith.constant 144 : index
    %swap3A_49 = tpu.vector_load %arg7[%swap3A_48] {strides = array<i32>} : memref<1280xf32, #tpu.memory_space<vmem>>, vector<16xf32>,
    %swap3A_50 = vector.shape_cast %swap3A_49 : vector<16xf32> to vector<16xf32>
    %swap3A_51 = vector.shape_cast %broadcast_in_dim3A_12 : vector<16xf32> to vector<16xf32>
    tpu.vector_store %arg7[%swap3A_48], %swap3A_51 {strides = array<i32>} : memref<1280xf32, #tpu.memory_space<vmem>>, vector<16xf32>,
    %swap3A_52 = arith.constant 160 : index
    %swap3A_53 = tpu.vector_load %arg7[%swap3A_52] {strides = array<i32>} : memref<1280xf32, #tpu.memory_space<vmem>>, vector<16xf32>,
    %swap3A_54 = vector.shape_cast %swap3A_53 : vector<16xf32> to vector<16xf32>
    %swap3A_55 = vector.shape_cast %broadcast_in_dim3A_12 : vector<16xf32> to vector<16xf32>
    tpu.vector_store %arg7[%swap3A_52], %swap3A_55 {strides = array<i32>} : memref<1280xf32, #tpu.memory_space<vmem>>, vector<16xf32>,
    %swap3A_56 = arith.constant 176 : index
    %swap3A_57 = tpu.vector_load %arg7[%swap3A_56] {strides = array<i32>} : memref<1280xf32, #tpu.memory_space<vmem>>, vector<16xf32>,
    %swap3A_58 = vector.shape_cast %swap3A_57 : vector<16xf32> to vector<16xf32>
    %swap3A_59 = vector.shape_cast %broadcast_in_dim3A_12 : vector<16xf32> to vector<16xf32>
    tpu.vector_store %arg7[%swap3A_56], %swap3A_59 {strides = array<i32>} : memref<1280xf32, #tpu.memory_space<vmem>>, vector<16xf32>,
    %swap3A_60 = arith.constant 192 : index
    %swap3A_61 = tpu.vector_load %arg7[%swap3A_60] {strides = array<i32>} : memref<1280xf32, #tpu.memory_space<vmem>>, vector<16xf32>,
    %swap3A_62 = vector.shape_cast %swap3A_61 : vector<16xf32> to vector<16xf32>
    %swap3A_63 = vector.shape_cast %broadcast_in_dim3A_12 : vector<16xf32> to vector<16xf32>
    tpu.vector_store %arg7[%swap3A_60], %swap3A_63 {strides = array<i32>} : memref<1280xf32, #tpu.memory_space<vmem>>, vector<16xf32>,
    %swap3A_64 = arith.constant 208 : index
    %swap3A_65 = tpu.vector_load %arg7[%swap3A_64] {strides = array<i32>} : memref<1280xf32, #tpu.memory_space<vmem>>, vector<16xf32>,
    %swap3A_66 = vector.shape_cast %swap3A_65 : vector<16xf32> to vector<16xf32>
    %swap3A_67 = vector.shape_cast %broadcast_in_dim3A_12 : vector<16xf32> to vector<16xf32>
    tpu.vector_store %arg7[%swap3A_64], %swap3A_67 {strides = array<i32>} : memref<1280xf32, #tpu.memory_space<vmem>>, vector<16xf32>,
    %swap3A_68 = arith.constant 224 : index
    %swap3A_69 = tpu.vector_load %arg7[%swap3A_68] {strides = array<i32>} : memref<1280xf32, #tpu.memory_space<vmem>>, vector<16xf32>,
    %swap3A_70 = vector.shape_cast %swap3A_69 : vector<16xf32> to vector<16xf32>
    %swap3A_71 = vector.shape_cast %broadcast_in_dim3A_12 : vector<16xf32> to vector<16xf32>
    tpu.vector_store %arg7[%swap3A_68], %swap3A_71 {strides = array<i32>} : memref<1280xf32, #tpu.memory_space<vmem>>, vector<16xf32>,
    %swap3A_72 = arith.constant 240 : index
    %swap3A_73 = tpu.vector_load %arg7[%swap3A_72] {strides = array<i32>} : memref<1280xf32, #tpu.memory_space<vmem>>, vector<16xf32>,
    %swap3A_74 = vector.shape_cast %swap3A_73 : vector<16xf32> to vector<16xf32>
    %swap3A_75 = vector.shape_cast %broadcast_in_dim3A_12 : vector<16xf32> to vector<16xf32>
    tpu.vector_store %arg7[%swap3A_72], %swap3A_75 {strides = array<i32>} : memref<1280xf32, #tpu.memory_space<vmem>>, vector<16xf32>,
    %swap3A_76 = arith.constant 256 : index
    %swap3A_77 = tpu.vector_load %arg7[%swap3A_76] {strides = array<i32>} : memref<1280xf32, #tpu.memory_space<vmem>>, vector<16xf32>,
    %swap3A_78 = vector.shape_cast %swap3A_77 : vector<16xf32> to vector<16xf32>
    %swap3A_79 = vector.shape_cast %broadcast_in_dim3A_12 : vector<16xf32> to vector<16xf32>
    tpu.vector_store %arg7[%swap3A_76], %swap3A_79 {strides = array<i32>} : memref<1280xf32, #tpu.memory_space<vmem>>, vector<16xf32>,
    %swap3A_80 = arith.constant 272 : index
    %swap3A_81 = tpu.vector_load %arg7[%swap3A_80] {strides = array<i32>} : memref<1280xf32, #tpu.memory_space<vmem>>, vector<16xf32>,
    %swap3A_82 = vector.shape_cast %swap3A_81 : vector<16xf32> to vector<16xf32>
    %swap3A_83 = vector.shape_cast %broadcast_in_dim3A_12 : vector<16xf32> to vector<16xf32>
    tpu.vector_store %arg7[%swap3A_80], %swap3A_83 {strides = array<i32>} : memref<1280xf32, #tpu.memory_space<vmem>>, vector<16xf32>,
    %swap3A_84 = arith.constant 288 : index
    %swap3A_85 = tpu.vector_load %arg7[%swap3A_84] {strides = array<i32>} : memref<1280xf32, #tpu.memory_space<vmem>>, vector<16xf32>,
    %swap3A_86 = vector.shape_cast %swap3A_85 : vector<16xf32> to vector<16xf32>
    %swap3A_87 = vector.shape_cast %broadcast_in_dim3A_12 : vector<16xf32> to vector<16xf32>
    tpu.vector_store %arg7[%swap3A_84], %swap3A_87 {strides = array<i32>} : memref<1280xf32, #tpu.memory_space<vmem>>, vector<16xf32>,
    %swap3A_88 = arith.constant 304 : index
    %swap3A_89 = tpu.vector_load %arg7[%swap3A_88] {strides = array<i32>} : memref<1280xf32, #tpu.memory_space<vmem>>, vector<16xf32>,
    %swap3A_90 = vector.shape_cast %swap3A_89 : vector<16xf32> to vector<16xf32>
    %swap3A_91 = vector.shape_cast %broadcast_in_dim3A_12 : vector<16xf32> to vector<16xf32>
    tpu.vector_store %arg7[%swap3A_88], %swap3A_91 {strides = array<i32>} : memref<1280xf32, #tpu.memory_space<vmem>>, vector<16xf32>,
    %swap3A_92 = arith.constant 320 : index
    %swap3A_93 = tpu.vector_load %arg7[%swap3A_92] {strides = array<i32>} : memref<1280xf32, #tpu.memory_space<vmem>>, vector<16xf32>,
    %swap3A_94 = vector.shape_cast %swap3A_93 : vector<16xf32> to vector<16xf32>
    %swap3A_95 = vector.shape_cast %broadcast_in_dim3A_12 : vector<16xf32> to vector<16xf32>
    tpu.vector_store %arg7[%swap3A_92], %swap3A_95 {strides = array<i32>} : memref<1280xf32, #tpu.memory_space<vmem>>, vector<16xf32>,
    %swap3A_96 = arith.constant 336 : index
    %swap3A_97 = tpu.vector_load %arg7[%swap3A_96] {strides = array<i32>} : memref<1280xf32, #tpu.memory_space<vmem>>, vector<16xf32>,
    %swap3A_98 = vector.shape_cast %swap3A_97 : vector<16xf32> to vector<16xf32>
    %swap3A_99 = vector.shape_cast %broadcast_in_dim3A_12 : vector<16xf32> to vector<16xf32>
    tpu.vector_store %arg7[%swap3A_96], %swap3A_99 {strides = array<i32>} : memref<1280xf32, #tpu.memory_space<vmem>>, vector<16xf32>,
    %swap3A_100 = arith.constant 352 : index
    %swap3A_101 = tpu.vector_load %arg7[%swap3A_100] {strides = array<i32>} : memref<1280xf32, #tpu.memory_space<vmem>>, vector<16xf32>,
    %swap3A_102 = vector.shape_cast %swap3A_101 : vector<16xf32> to vector<16xf32>
    %swap3A_103 = vector.shape_cast %broadcast_in_dim3A_12 : vector<16xf32> to vector<16xf32>
    tpu.vector_store %arg7[%swap3A_100], %swap3A_103 {strides = array<i32>} : memref<1280xf32, #tpu.memory_space<vmem>>, vector<16xf32>,
    %swap3A_104 = arith.constant 368 : index
    %swap3A_105 = tpu.vector_load %arg7[%swap3A_104] {strides = array<i32>} : memref<1280xf32, #tpu.memory_space<vmem>>, vector<16xf32>,
    %swap3A_106 = vector.shape_cast %swap3A_105 : vector<16xf32> to vector<16xf32>
    %swap3A_107 = vector.shape_cast %broadcast_in_dim3A_12 : vector<16xf32> to vector<16xf32>
    tpu.vector_store %arg7[%swap3A_104], %swap3A_107 {strides = array<i32>} : memref<1280xf32, #tpu.memory_space<vmem>>, vector<16xf32>,
    %swap3A_108 = arith.constant 384 : index
    %swap3A_109 = tpu.vector_load %arg7[%swap3A_108] {strides = array<i32>} : memref<1280xf32, #tpu.memory_space<vmem>>, vector<16xf32>,
    %swap3A_110 = vector.shape_cast %swap3A_109 : vector<16xf32> to vector<16xf32>
    %swap3A_111 = vector.shape_cast %broadcast_in_dim3A_12 : vector<16xf32> to vector<16xf32>
    tpu.vector_store %arg7[%swap3A_108], %swap3A_111 {strides = array<i32>} : memref<1280xf32, #tpu.memory_space<vmem>>, vector<16xf32>,
    %swap3A_112 = arith.constant 400 : index
    %swap3A_113 = tpu.vector_load %arg7[%swap3A_112] {strides = array<i32>} : memref<1280xf32, #tpu.memory_space<vmem>>, vector<16xf32>,
    %swap3A_114 = vector.shape_cast %swap3A_113 : vector<16xf32> to vector<16xf32>
    %swap3A_115 = vector.shape_cast %broadcast_in_dim3A_12 : vector<16xf32> to vector<16xf32>
    tpu.vector_store %arg7[%swap3A_112], %swap3A_115 {strides = array<i32>} : memref<1280xf32, #tpu.memory_space<vmem>>, vector<16xf32>,
    %swap3A_116 = arith.constant 416 : index
    %swap3A_117 = tpu.vector_load %arg7[%swap3A_116] {strides = array<i32>} : memref<1280xf32, #tpu.memory_space<vmem>>, vector<16xf32>,
    %swap3A_118 = vector.shape_cast %swap3A_117 : vector<16xf32> to vector<16xf32>
    %swap3A_119 = vector.shape_cast %broadcast_in_dim3A_12 : vector<16xf32> to vector<16xf32>
    tpu.vector_store %arg7[%swap3A_116], %swap3A_119 {strides = array<i32>} : memref<1280xf32, #tpu.memory_space<vmem>>, vector<16xf32>,
    %swap3A_120 = arith.constant 432 : index
    %swap3A_121 = tpu.vector_load %arg7[%swap3A_120] {strides = array<i32>} : memref<1280xf32, #tpu.memory_space<vmem>>, vector<16xf32>,
    %swap3A_122 = vector.shape_cast %swap3A_121 : vector<16xf32> to vector<16xf32>
    %swap3A_123 = vector.shape_cast %broadcast_in_dim3A_12 : vector<16xf32> to vector<16xf32>
    tpu.vector_store %arg7[%swap3A_120], %swap3A_123 {strides = array<i32>} : memref<1280xf32, #tpu.memory_space<vmem>>, vector<16xf32>,
    %swap3A_124 = arith.constant 448 : index
    %swap3A_125 = tpu.vector_load %arg7[%swap3A_124] {strides = array<i32>} : memref<1280xf32, #tpu.memory_space<vmem>>, vector<16xf32>,
    %swap3A_126 = vector.shape_cast %swap3A_125 : vector<16xf32> to vector<16xf32>
    %swap3A_127 = vector.shape_cast %broadcast_in_dim3A_12 : vector<16xf32> to vector<16xf32>
    tpu.vector_store %arg7[%swap3A_124], %swap3A_127 {strides = array<i32>} : memref<1280xf32, #tpu.memory_space<vmem>>, vector<16xf32>,
    %swap3A_128 = arith.constant 464 : index
    %swap3A_129 = tpu.vector_load %arg7[%swap3A_128] {strides = array<i32>} : memref<1280xf32, #tpu.memory_space<vmem>>, vector<16xf32>,
    %swap3A_130 = vector.shape_cast %swap3A_129 : vector<16xf32> to vector<16xf32>
    %swap3A_131 = vector.shape_cast %broadcast_in_dim3A_12 : vector<16xf32> to vector<16xf32>
    tpu.vector_store %arg7[%swap3A_128], %swap3A_131 {strides = array<i32>} : memref<1280xf32, #tpu.memory_space<vmem>>, vector<16xf32>,
    %swap3A_132 = arith.constant 480 : index
    %swap3A_133 = tpu.vector_load %arg7[%swap3A_132] {strides = array<i32>} : memref<1280xf32, #tpu.memory_space<vmem>>, vector<16xf32>,
    %swap3A_134 = vector.shape_cast %swap3A_133 : vector<16xf32> to vector<16xf32>
    %swap3A_135 = vector.shape_cast %broadcast_in_dim3A_12 : vector<16xf32> to vector<16xf32>
    tpu.vector_store %arg7[%swap3A_132], %swap3A_135 {strides = array<i32>} : memref<1280xf32, #tpu.memory_space<vmem>>, vector<16xf32>,
    %swap3A_136 = arith.constant 496 : index
    %swap3A_137 = tpu.vector_load %arg7[%swap3A_136] {strides = array<i32>} : memref<1280xf32, #tpu.memory_space<vmem>>, vector<16xf32>,
    %swap3A_138 = vector.shape_cast %swap3A_137 : vector<16xf32> to vector<16xf32>
    %swap3A_139 = vector.shape_cast %broadcast_in_dim3A_12 : vector<16xf32> to vector<16xf32>
    tpu.vector_store %arg7[%swap3A_136], %swap3A_139 {strides = array<i32>} : memref<1280xf32, #tpu.memory_space<vmem>>, vector<16xf32>,
    %swap3A_140 = arith.constant 512 : index
    %swap3A_141 = tpu.vector_load %arg7[%swap3A_140] {strides = array<i32>} : memref<1280xf32, #tpu.memory_space<vmem>>, vector<16xf32>,
    %swap3A_142 = vector.shape_cast %swap3A_141 : vector<16xf32> to vector<16xf32>
    %swap3A_143 = vector.shape_cast %broadcast_in_dim3A_12 : vector<16xf32> to vector<16xf32>
    tpu.vector_store %arg7[%swap3A_140], %swap3A_143 {strides = array<i32>} : memref<1280xf32, #tpu.memory_space<vmem>>, vector<16xf32>,
    %swap3A_144 = arith.constant 528 : index
    %swap3A_145 = tpu.vector_load %arg7[%swap3A_144] {strides = array<i32>} : memref<1280xf32, #tpu.memory_space<vmem>>, vector<16xf32>,
    %swap3A_146 = vector.shape_cast %swap3A_145 : vector<16xf32> to vector<16xf32>
    %swap3A_147 = vector.shape_cast %broadcast_in_dim3A_12 : vector<16xf32> to vector<16xf32>
    tpu.vector_store %arg7[%swap3A_144], %swap3A_147 {strides = array<i32>} : memref<1280xf32, #tpu.memory_space<vmem>>, vector<16xf32>,
    %swap3A_148 = arith.constant 544 : index
    %swap3A_149 = tpu.vector_load %arg7[%swap3A_148] {strides = array<i32>} : memref<1280xf32, #tpu.memory_space<vmem>>, vector<16xf32>,
    %swap3A_150 = vector.shape_cast %swap3A_149 : vector<16xf32> to vector<16xf32>
    %swap3A_151 = vector.shape_cast %broadcast_in_dim3A_12 : vector<16xf32> to vector<16xf32>
    tpu.vector_store %arg7[%swap3A_148], %swap3A_151 {strides = array<i32>} : memref<1280xf32, #tpu.memory_space<vmem>>, vector<16xf32>,
    %swap3A_152 = arith.constant 560 : index
    %swap3A_153 = tpu.vector_load %arg7[%swap3A_152] {strides = array<i32>} : memref<1280xf32, #tpu.memory_space<vmem>>, vector<16xf32>,
    %swap3A_154 = vector.shape_cast %swap3A_153 : vector<16xf32> to vector<16xf32>
    %swap3A_155 = vector.shape_cast %broadcast_in_dim3A_12 : vector<16xf32> to vector<16xf32>
    tpu.vector_store %arg7[%swap3A_152], %swap3A_155 {strides = array<i32>} : memref<1280xf32, #tpu.memory_space<vmem>>, vector<16xf32>,
    %swap3A_156 = arith.constant 576 : index
    %swap3A_157 = tpu.vector_load %arg7[%swap3A_156] {strides = array<i32>} : memref<1280xf32, #tpu.memory_space<vmem>>, vector<16xf32>,
    %swap3A_158 = vector.shape_cast %swap3A_157 : vector<16xf32> to vector<16xf32>
    %swap3A_159 = vector.shape_cast %broadcast_in_dim3A_12 : vector<16xf32> to vector<16xf32>
    tpu.vector_store %arg7[%swap3A_156], %swap3A_159 {strides = array<i32>} : memref<1280xf32, #tpu.memory_space<vmem>>, vector<16xf32>,
    %swap3A_160 = arith.constant 592 : index
    %swap3A_161 = tpu.vector_load %arg7[%swap3A_160] {strides = array<i32>} : memref<1280xf32, #tpu.memory_space<vmem>>, vector<16xf32>,
    %swap3A_162 = vector.shape_cast %swap3A_161 : vector<16xf32> to vector<16xf32>
    %swap3A_163 = vector.shape_cast %broadcast_in_dim3A_12 : vector<16xf32> to vector<16xf32>
    tpu.vector_store %arg7[%swap3A_160], %swap3A_163 {strides = array<i32>} : memref<1280xf32, #tpu.memory_space<vmem>>, vector<16xf32>,
    %swap3A_164 = arith.constant 608 : index
    %swap3A_165 = tpu.vector_load %arg7[%swap3A_164] {strides = array<i32>} : memref<1280xf32, #tpu.memory_space<vmem>>, vector<16xf32>,
    %swap3A_166 = vector.shape_cast %swap3A_165 : vector<16xf32> to vector<16xf32>
    %swap3A_167 = vector.shape_cast %broadcast_in_dim3A_12 : vector<16xf32> to vector<16xf32>
    tpu.vector_store %arg7[%swap3A_164], %swap3A_167 {strides = array<i32>} : memref<1280xf32, #tpu.memory_space<vmem>>, vector<16xf32>,
    %swap3A_168 = arith.constant 624 : index
    %swap3A_169 = tpu.vector_load %arg7[%swap3A_168] {strides = array<i32>} : memref<1280xf32, #tpu.memory_space<vmem>>, vector<16xf32>,
    %swap3A_170 = vector.shape_cast %swap3A_169 : vector<16xf32> to vector<16xf32>
    %swap3A_171 = vector.shape_cast %broadcast_in_dim3A_12 : vector<16xf32> to vector<16xf32>
    tpu.vector_store %arg7[%swap3A_168], %swap3A_171 {strides = array<i32>} : memref<1280xf32, #tpu.memory_space<vmem>>, vector<16xf32>,
    %swap3A_172 = arith.constant 640 : index
    %swap3A_173 = tpu.vector_load %arg7[%swap3A_172] {strides = array<i32>} : memref<1280xf32, #tpu.memory_space<vmem>>, vector<16xf32>,
    %swap3A_174 = vector.shape_cast %swap3A_173 : vector<16xf32> to vector<16xf32>
    %swap3A_175 = vector.shape_cast %broadcast_in_dim3A_12 : vector<16xf32> to vector<16xf32>
    tpu.vector_store %arg7[%swap3A_172], %swap3A_175 {strides = array<i32>} : memref<1280xf32, #tpu.memory_space<vmem>>, vector<16xf32>,
    %swap3A_176 = arith.constant 656 : index
    %swap3A_177 = tpu.vector_load %arg7[%swap3A_176] {strides = array<i32>} : memref<1280xf32, #tpu.memory_space<vmem>>, vector<16xf32>,
    %swap3A_178 = vector.shape_cast %swap3A_177 : vector<16xf32> to vector<16xf32>
    %swap3A_179 = vector.shape_cast %broadcast_in_dim3A_12 : vector<16xf32> to vector<16xf32>
    tpu.vector_store %arg7[%swap3A_176], %swap3A_179 {strides = array<i32>} : memref<1280xf32, #tpu.memory_space<vmem>>, vector<16xf32>,
    %swap3A_180 = arith.constant 672 : index
    %swap3A_181 = tpu.vector_load %arg7[%swap3A_180] {strides = array<i32>} : memref<1280xf32, #tpu.memory_space<vmem>>, vector<16xf32>,
    %swap3A_182 = vector.shape_cast %swap3A_181 : vector<16xf32> to vector<16xf32>
    %swap3A_183 = vector.shape_cast %broadcast_in_dim3A_12 : vector<16xf32> to vector<16xf32>
    tpu.vector_store %arg7[%swap3A_180], %swap3A_183 {strides = array<i32>} : memref<1280xf32, #tpu.memory_space<vmem>>, vector<16xf32>,
    %swap3A_184 = arith.constant 688 : index
    %swap3A_185 = tpu.vector_load %arg7[%swap3A_184] {strides = array<i32>} : memref<1280xf32, #tpu.memory_space<vmem>>, vector<16xf32>,
    %swap3A_186 = vector.shape_cast %swap3A_185 : vector<16xf32> to vector<16xf32>
    %swap3A_187 = vector.shape_cast %broadcast_in_dim3A_12 : vector<16xf32> to vector<16xf32>
    tpu.vector_store %arg7[%swap3A_184], %swap3A_187 {strides = array<i32>} : memref<1280xf32, #tpu.memory_space<vmem>>, vector<16xf32>,
    %swap3A_188 = arith.constant 704 : index
    %swap3A_189 = tpu.vector_load %arg7[%swap3A_188] {strides = array<i32>} : memref<1280xf32, #tpu.memory_space<vmem>>, vector<16xf32>,
    %swap3A_190 = vector.shape_cast %swap3A_189 : vector<16xf32> to vector<16xf32>
    %swap3A_191 = vector.shape_cast %broadcast_in_dim3A_12 : vector<16xf32> to vector<16xf32>
    tpu.vector_store %arg7[%swap3A_188], %swap3A_191 {strides = array<i32>} : memref<1280xf32, #tpu.memory_space<vmem>>, vector<16xf32>,
    %swap3A_192 = arith.constant 720 : index
    %swap3A_193 = tpu.vector_load %arg7[%swap3A_192] {strides = array<i32>} : memref<1280xf32, #tpu.memory_space<vmem>>, vector<16xf32>,
    %swap3A_194 = vector.shape_cast %swap3A_193 : vector<16xf32> to vector<16xf32>
    %swap3A_195 = vector.shape_cast %broadcast_in_dim3A_12 : vector<16xf32> to vector<16xf32>
    tpu.vector_store %arg7[%swap3A_192], %swap3A_195 {strides = array<i32>} : memref<1280xf32, #tpu.memory_space<vmem>>, vector<16xf32>,
    %swap3A_196 = arith.constant 736 : index
    %swap3A_197 = tpu.vector_load %arg7[%swap3A_196] {strides = array<i32>} : memref<1280xf32, #tpu.memory_space<vmem>>, vector<16xf32>,
    %swap3A_198 = vector.shape_cast %swap3A_197 : vector<16xf32> to vector<16xf32>
    %swap3A_199 = vector.shape_cast %broadcast_in_dim3A_12 : vector<16xf32> to vector<16xf32>
    tpu.vector_store %arg7[%swap3A_196], %swap3A_199 {strides = array<i32>} : memref<1280xf32, #tpu.memory_space<vmem>>, vector<16xf32>,
    %swap3A_200 = arith.constant 752 : index
    %swap3A_201 = tpu.vector_load %arg7[%swap3A_200] {strides = array<i32>} : memref<1280xf32, #tpu.memory_space<vmem>>, vector<16xf32>,
    %swap3A_202 = vector.shape_cast %swap3A_201 : vector<16xf32> to vector<16xf32>
    %swap3A_203 = vector.shape_cast %broadcast_in_dim3A_12 : vector<16xf32> to vector<16xf32>
    tpu.vector_store %arg7[%swap3A_200], %swap3A_203 {strides = array<i32>} : memref<1280xf32, #tpu.memory_space<vmem>>, vector<16xf32>,
    %swap3A_204 = arith.constant 768 : index
    %swap3A_205 = tpu.vector_load %arg7[%swap3A_204] {strides = array<i32>} : memref<1280xf32, #tpu.memory_space<vmem>>, vector<16xf32>,
    %swap3A_206 = vector.shape_cast %swap3A_205 : vector<16xf32> to vector<16xf32>
    %swap3A_207 = vector.shape_cast %broadcast_in_dim3A_12 : vector<16xf32> to vector<16xf32>
    tpu.vector_store %arg7[%swap3A_204], %swap3A_207 {strides = array<i32>} : memref<1280xf32, #tpu.memory_space<vmem>>, vector<16xf32>,
    %swap3A_208 = arith.constant 784 : index
    %swap3A_209 = tpu.vector_load %arg7[%swap3A_208] {strides = array<i32>} : memref<1280xf32, #tpu.memory_space<vmem>>, vector<16xf32>,
    %swap3A_210 = vector.shape_cast %swap3A_209 : vector<16xf32> to vector<16xf32>
    %swap3A_211 = vector.shape_cast %broadcast_in_dim3A_12 : vector<16xf32> to vector<16xf32>
    tpu.vector_store %arg7[%swap3A_208], %swap3A_211 {strides = array<i32>} : memref<1280xf32, #tpu.memory_space<vmem>>, vector<16xf32>,
    %swap3A_212 = arith.constant 800 : index
    %swap3A_213 = tpu.vector_load %arg7[%swap3A_212] {strides = array<i32>} : memref<1280xf32, #tpu.memory_space<vmem>>, vector<16xf32>,
    %swap3A_214 = vector.shape_cast %swap3A_213 : vector<16xf32> to vector<16xf32>
    %swap3A_215 = vector.shape_cast %broadcast_in_dim3A_12 : vector<16xf32> to vector<16xf32>
    tpu.vector_store %arg7[%swap3A_212], %swap3A_215 {strides = array<i32>} : memref<1280xf32, #tpu.memory_space<vmem>>, vector<16xf32>,
    %swap3A_216 = arith.constant 816 : index
    %swap3A_217 = tpu.vector_load %arg7[%swap3A_216] {strides = array<i32>} : memref<1280xf32, #tpu.memory_space<vmem>>, vector<16xf32>,
    %swap3A_218 = vector.shape_cast %swap3A_217 : vector<16xf32> to vector<16xf32>
    %swap3A_219 = vector.shape_cast %broadcast_in_dim3A_12 : vector<16xf32> to vector<16xf32>
    tpu.vector_store %arg7[%swap3A_216], %swap3A_219 {strides = array<i32>} : memref<1280xf32, #tpu.memory_space<vmem>>, vector<16xf32>,
    %swap3A_220 = arith.constant 832 : index
    %swap3A_221 = tpu.vector_load %arg7[%swap3A_220] {strides = array<i32>} : memref<1280xf32, #tpu.memory_space<vmem>>, vector<16xf32>,
    %swap3A_222 = vector.shape_cast %swap3A_221 : vector<16xf32> to vector<16xf32>
    %swap3A_223 = vector.shape_cast %broadcast_in_dim3A_12 : vector<16xf32> to vector<16xf32>
    tpu.vector_store %arg7[%swap3A_220], %swap3A_223 {strides = array<i32>} : memref<1280xf32, #tpu.memory_space<vmem>>, vector<16xf32>,
    %swap3A_224 = arith.constant 848 : index
    %swap3A_225 = tpu.vector_load %arg7[%swap3A_224] {strides = array<i32>} : memref<1280xf32, #tpu.memory_space<vmem>>, vector<16xf32>,
    %swap3A_226 = vector.shape_cast %swap3A_225 : vector<16xf32> to vector<16xf32>
    %swap3A_227 = vector.shape_cast %broadcast_in_dim3A_12 : vector<16xf32> to vector<16xf32>
    tpu.vector_store %arg7[%swap3A_224], %swap3A_227 {strides = array<i32>} : memref<1280xf32, #tpu.memory_space<vmem>>, vector<16xf32>,
    %swap3A_228 = arith.constant 864 : index
    %swap3A_229 = tpu.vector_load %arg7[%swap3A_228] {strides = array<i32>} : memref<1280xf32, #tpu.memory_space<vmem>>, vector<16xf32>,
    %swap3A_230 = vector.shape_cast %swap3A_229 : vector<16xf32> to vector<16xf32>
    %swap3A_231 = vector.shape_cast %broadcast_in_dim3A_12 : vector<16xf32> to vector<16xf32>
    tpu.vector_store %arg7[%swap3A_228], %swap3A_231 {strides = array<i32>} : memref<1280xf32, #tpu.memory_space<vmem>>, vector<16xf32>,
    %swap3A_232 = arith.constant 880 : index
    %swap3A_233 = tpu.vector_load %arg7[%swap3A_232] {strides = array<i32>} : memref<1280xf32, #tpu.memory_space<vmem>>, vector<16xf32>,
    %swap3A_234 = vector.shape_cast %swap3A_233 : vector<16xf32> to vector<16xf32>
    %swap3A_235 = vector.shape_cast %broadcast_in_dim3A_12 : vector<16xf32> to vector<16xf32>
    tpu.vector_store %arg7[%swap3A_232], %swap3A_235 {strides = array<i32>} : memref<1280xf32, #tpu.memory_space<vmem>>, vector<16xf32>,
    %swap3A_236 = arith.constant 896 : index
    %swap3A_237 = tpu.vector_load %arg7[%swap3A_236] {strides = array<i32>} : memref<1280xf32, #tpu.memory_space<vmem>>, vector<16xf32>,
    %swap3A_238 = vector.shape_cast %swap3A_237 : vector<16xf32> to vector<16xf32>
    %swap3A_239 = vector.shape_cast %broadcast_in_dim3A_12 : vector<16xf32> to vector<16xf32>
    tpu.vector_store %arg7[%swap3A_236], %swap3A_239 {strides = array<i32>} : memref<1280xf32, #tpu.memory_space<vmem>>, vector<16xf32>,
    %swap3A_240 = arith.constant 912 : index
    %swap3A_241 = tpu.vector_load %arg7[%swap3A_240] {strides = array<i32>} : memref<1280xf32, #tpu.memory_space<vmem>>, vector<16xf32>,
    %swap3A_242 = vector.shape_cast %swap3A_241 : vector<16xf32> to vector<16xf32>
    %swap3A_243 = vector.shape_cast %broadcast_in_dim3A_12 : vector<16xf32> to vector<16xf32>
    tpu.vector_store %arg7[%swap3A_240], %swap3A_243 {strides = array<i32>} : memref<1280xf32, #tpu.memory_space<vmem>>, vector<16xf32>,
    %swap3A_244 = arith.constant 928 : index
    %swap3A_245 = tpu.vector_load %arg7[%swap3A_244] {strides = array<i32>} : memref<1280xf32, #tpu.memory_space<vmem>>, vector<16xf32>,
    %swap3A_246 = vector.shape_cast %swap3A_245 : vector<16xf32> to vector<16xf32>
    %swap3A_247 = vector.shape_cast %broadcast_in_dim3A_12 : vector<16xf32> to vector<16xf32>
    tpu.vector_store %arg7[%swap3A_244], %swap3A_247 {strides = array<i32>} : memref<1280xf32, #tpu.memory_space<vmem>>, vector<16xf32>,
    %swap3A_248 = arith.constant 944 : index
    %swap3A_249 = tpu.vector_load %arg7[%swap3A_248] {strides = array<i32>} : memref<1280xf32, #tpu.memory_space<vmem>>, vector<16xf32>,
    %swap3A_250 = vector.shape_cast %swap3A_249 : vector<16xf32> to vector<16xf32>
    %swap3A_251 = vector.shape_cast %broadcast_in_dim3A_12 : vector<16xf32> to vector<16xf32>
    tpu.vector_store %arg7[%swap3A_248], %swap3A_251 {strides = array<i32>} : memref<1280xf32, #tpu.memory_space<vmem>>, vector<16xf32>,
    %swap3A_252 = arith.constant 960 : index
    %swap3A_253 = tpu.vector_load %arg7[%swap3A_252] {strides = array<i32>} : memref<1280xf32, #tpu.memory_space<vmem>>, vector<16xf32>,
    %swap3A_254 = vector.shape_cast %swap3A_253 : vector<16xf32> to vector<16xf32>
    %swap3A_255 = vector.shape_cast %broadcast_in_dim3A_12 : vector<16xf32> to vector<16xf32>
    tpu.vector_store %arg7[%swap3A_252], %swap3A_255 {strides = array<i32>} : memref<1280xf32, #tpu.memory_space<vmem>>, vector<16xf32>,
    %swap3A_256 = arith.constant 976 : index
    %swap3A_257 = tpu.vector_load %arg7[%swap3A_256] {strides = array<i32>} : memref<1280xf32, #tpu.memory_space<vmem>>, vector<16xf32>,
    %swap3A_258 = vector.shape_cast %swap3A_257 : vector<16xf32> to vector<16xf32>
    %swap3A_259 = vector.shape_cast %broadcast_in_dim3A_12 : vector<16xf32> to vector<16xf32>
    tpu.vector_store %arg7[%swap3A_256], %swap3A_259 {strides = array<i32>} : memref<1280xf32, #tpu.memory_space<vmem>>, vector<16xf32>,
    %swap3A_260 = arith.constant 992 : index
    %swap3A_261 = tpu.vector_load %arg7[%swap3A_260] {strides = array<i32>} : memref<1280xf32, #tpu.memory_space<vmem>>, vector<16xf32>,
    %swap3A_262 = vector.shape_cast %swap3A_261 : vector<16xf32> to vector<16xf32>
    %swap3A_263 = vector.shape_cast %broadcast_in_dim3A_12 : vector<16xf32> to vector<16xf32>
    tpu.vector_store %arg7[%swap3A_260], %swap3A_263 {strides = array<i32>} : memref<1280xf32, #tpu.memory_space<vmem>>, vector<16xf32>,
    %swap3A_264 = arith.constant 1008 : index
    %swap3A_265 = tpu.vector_load %arg7[%swap3A_264] {strides = array<i32>} : memref<1280xf32, #tpu.memory_space<vmem>>, vector<16xf32>,
    %swap3A_266 = vector.shape_cast %swap3A_265 : vector<16xf32> to vector<16xf32>
    %swap3A_267 = vector.shape_cast %broadcast_in_dim3A_12 : vector<16xf32> to vector<16xf32>
    tpu.vector_store %arg7[%swap3A_264], %swap3A_267 {strides = array<i32>} : memref<1280xf32, #tpu.memory_space<vmem>>, vector<16xf32>,
    %swap3A_268 = arith.constant 1024 : index
    %swap3A_269 = tpu.vector_load %arg7[%swap3A_268] {strides = array<i32>} : memref<1280xf32, #tpu.memory_space<vmem>>, vector<16xf32>,
    %swap3A_270 = vector.shape_cast %swap3A_269 : vector<16xf32> to vector<16xf32>
    %swap3A_271 = vector.shape_cast %broadcast_in_dim3A_12 : vector<16xf32> to vector<16xf32>
    tpu.vector_store %arg7[%swap3A_268], %swap3A_271 {strides = array<i32>} : memref<1280xf32, #tpu.memory_space<vmem>>, vector<16xf32>,
    %swap3A_272 = arith.constant 1040 : index
    %swap3A_273 = tpu.vector_load %arg7[%swap3A_272] {strides = array<i32>} : memref<1280xf32, #tpu.memory_space<vmem>>, vector<16xf32>,
    %swap3A_274 = vector.shape_cast %swap3A_273 : vector<16xf32> to vector<16xf32>
    %swap3A_275 = vector.shape_cast %broadcast_in_dim3A_12 : vector<16xf32> to vector<16xf32>
    tpu.vector_store %arg7[%swap3A_272], %swap3A_275 {strides = array<i32>} : memref<1280xf32, #tpu.memory_space<vmem>>, vector<16xf32>,
    %swap3A_276 = arith.constant 1056 : index
    %swap3A_277 = tpu.vector_load %arg7[%swap3A_276] {strides = array<i32>} : memref<1280xf32, #tpu.memory_space<vmem>>, vector<16xf32>,
    %swap3A_278 = vector.shape_cast %swap3A_277 : vector<16xf32> to vector<16xf32>
    %swap3A_279 = vector.shape_cast %broadcast_in_dim3A_12 : vector<16xf32> to vector<16xf32>
    tpu.vector_store %arg7[%swap3A_276], %swap3A_279 {strides = array<i32>} : memref<1280xf32, #tpu.memory_space<vmem>>, vector<16xf32>,
    %swap3A_280 = arith.constant 1072 : index
    %swap3A_281 = tpu.vector_load %arg7[%swap3A_280] {strides = array<i32>} : memref<1280xf32, #tpu.memory_space<vmem>>, vector<16xf32>,
    %swap3A_282 = vector.shape_cast %swap3A_281 : vector<16xf32> to vector<16xf32>
    %swap3A_283 = vector.shape_cast %broadcast_in_dim3A_12 : vector<16xf32> to vector<16xf32>
    tpu.vector_store %arg7[%swap3A_280], %swap3A_283 {strides = array<i32>} : memref<1280xf32, #tpu.memory_space<vmem>>, vector<16xf32>,
    %swap3A_284 = arith.constant 1088 : index
    %swap3A_285 = tpu.vector_load %arg7[%swap3A_284] {strides = array<i32>} : memref<1280xf32, #tpu.memory_space<vmem>>, vector<16xf32>,
    %swap3A_286 = vector.shape_cast %swap3A_285 : vector<16xf32> to vector<16xf32>
    %swap3A_287 = vector.shape_cast %broadcast_in_dim3A_12 : vector<16xf32> to vector<16xf32>
    tpu.vector_store %arg7[%swap3A_284], %swap3A_287 {strides = array<i32>} : memref<1280xf32, #tpu.memory_space<vmem>>, vector<16xf32>,
    %swap3A_288 = arith.constant 1104 : index
    %swap3A_289 = tpu.vector_load %arg7[%swap3A_288] {strides = array<i32>} : memref<1280xf32, #tpu.memory_space<vmem>>, vector<16xf32>,
    %swap3A_290 = vector.shape_cast %swap3A_289 : vector<16xf32> to vector<16xf32>
    %swap3A_291 = vector.shape_cast %broadcast_in_dim3A_12 : vector<16xf32> to vector<16xf32>
    tpu.vector_store %arg7[%swap3A_288], %swap3A_291 {strides = array<i32>} : memref<1280xf32, #tpu.memory_space<vmem>>, vector<16xf32>,
    %swap3A_292 = arith.constant 1120 : index
    %swap3A_293 = tpu.vector_load %arg7[%swap3A_292] {strides = array<i32>} : memref<1280xf32, #tpu.memory_space<vmem>>, vector<16xf32>,
    %swap3A_294 = vector.shape_cast %swap3A_293 : vector<16xf32> to vector<16xf32>
    %swap3A_295 = vector.shape_cast %broadcast_in_dim3A_12 : vector<16xf32> to vector<16xf32>
    tpu.vector_store %arg7[%swap3A_292], %swap3A_295 {strides = array<i32>} : memref<1280xf32, #tpu.memory_space<vmem>>, vector<16xf32>,
    %swap3A_296 = arith.constant 1136 : index
    %swap3A_297 = tpu.vector_load %arg7[%swap3A_296] {strides = array<i32>} : memref<1280xf32, #tpu.memory_space<vmem>>, vector<16xf32>,
    %swap3A_298 = vector.shape_cast %swap3A_297 : vector<16xf32> to vector<16xf32>
    %swap3A_299 = vector.shape_cast %broadcast_in_dim3A_12 : vector<16xf32> to vector<16xf32>
    tpu.vector_store %arg7[%swap3A_296], %swap3A_299 {strides = array<i32>} : memref<1280xf32, #tpu.memory_space<vmem>>, vector<16xf32>,
    %swap3A_300 = arith.constant 1152 : index
    %swap3A_301 = tpu.vector_load %arg7[%swap3A_300] {strides = array<i32>} : memref<1280xf32, #tpu.memory_space<vmem>>, vector<16xf32>,
    %swap3A_302 = vector.shape_cast %swap3A_301 : vector<16xf32> to vector<16xf32>
    %swap3A_303 = vector.shape_cast %broadcast_in_dim3A_12 : vector<16xf32> to vector<16xf32>
    tpu.vector_store %arg7[%swap3A_300], %swap3A_303 {strides = array<i32>} : memref<1280xf32, #tpu.memory_space<vmem>>, vector<16xf32>,
    %swap3A_304 = arith.constant 1168 : index
    %swap3A_305 = tpu.vector_load %arg7[%swap3A_304] {strides = array<i32>} : memref<1280xf32, #tpu.memory_space<vmem>>, vector<16xf32>,
    %swap3A_306 = vector.shape_cast %swap3A_305 : vector<16xf32> to vector<16xf32>
    %swap3A_307 = vector.shape_cast %broadcast_in_dim3A_12 : vector<16xf32> to vector<16xf32>
    tpu.vector_store %arg7[%swap3A_304], %swap3A_307 {strides = array<i32>} : memref<1280xf32, #tpu.memory_space<vmem>>, vector<16xf32>,
    %swap3A_308 = arith.constant 1184 : index
    %swap3A_309 = tpu.vector_load %arg7[%swap3A_308] {strides = array<i32>} : memref<1280xf32, #tpu.memory_space<vmem>>, vector<16xf32>,
    %swap3A_310 = vector.shape_cast %swap3A_309 : vector<16xf32> to vector<16xf32>
    %swap3A_311 = vector.shape_cast %broadcast_in_dim3A_12 : vector<16xf32> to vector<16xf32>
    tpu.vector_store %arg7[%swap3A_308], %swap3A_311 {strides = array<i32>} : memref<1280xf32, #tpu.memory_space<vmem>>, vector<16xf32>,
    %swap3A_312 = arith.constant 1200 : index
    %swap3A_313 = tpu.vector_load %arg7[%swap3A_312] {strides = array<i32>} : memref<1280xf32, #tpu.memory_space<vmem>>, vector<16xf32>,
    %swap3A_314 = vector.shape_cast %swap3A_313 : vector<16xf32> to vector<16xf32>
    %swap3A_315 = vector.shape_cast %broadcast_in_dim3A_12 : vector<16xf32> to vector<16xf32>
    tpu.vector_store %arg7[%swap3A_312], %swap3A_315 {strides = array<i32>} : memref<1280xf32, #tpu.memory_space<vmem>>, vector<16xf32>,
    %swap3A_316 = arith.constant 1216 : index
    %swap3A_317 = tpu.vector_load %arg7[%swap3A_316] {strides = array<i32>} : memref<1280xf32, #tpu.memory_space<vmem>>, vector<16xf32>,
    %swap3A_318 = vector.shape_cast %swap3A_317 : vector<16xf32> to vector<16xf32>
    %swap3A_319 = vector.shape_cast %broadcast_in_dim3A_12 : vector<16xf32> to vector<16xf32>
    tpu.vector_store %arg7[%swap3A_316], %swap3A_319 {strides = array<i32>} : memref<1280xf32, #tpu.memory_space<vmem>>, vector<16xf32>,
    %swap3A_320 = arith.constant 1232 : index
    %swap3A_321 = tpu.vector_load %arg7[%swap3A_320] {strides = array<i32>} : memref<1280xf32, #tpu.memory_space<vmem>>, vector<16xf32>,
    %swap3A_322 = vector.shape_cast %swap3A_321 : vector<16xf32> to vector<16xf32>
    %swap3A_323 = vector.shape_cast %broadcast_in_dim3A_12 : vector<16xf32> to vector<16xf32>
    tpu.vector_store %arg7[%swap3A_320], %swap3A_323 {strides = array<i32>} : memref<1280xf32, #tpu.memory_space<vmem>>, vector<16xf32>,
    %swap3A_324 = arith.constant 1248 : index
    %swap3A_325 = tpu.vector_load %arg7[%swap3A_324] {strides = array<i32>} : memref<1280xf32, #tpu.memory_space<vmem>>, vector<16xf32>,
    %swap3A_326 = vector.shape_cast %swap3A_325 : vector<16xf32> to vector<16xf32>
    %swap3A_327 = vector.shape_cast %broadcast_in_dim3A_12 : vector<16xf32> to vector<16xf32>
    tpu.vector_store %arg7[%swap3A_324], %swap3A_327 {strides = array<i32>} : memref<1280xf32, #tpu.memory_space<vmem>>, vector<16xf32>,
    %swap3A_328 = arith.constant 1264 : index
    %swap3A_329 = tpu.vector_load %arg7[%swap3A_328] {strides = array<i32>} : memref<1280xf32, #tpu.memory_space<vmem>>, vector<16xf32>,
    %swap3A_330 = vector.shape_cast %swap3A_329 : vector<16xf32> to vector<16xf32>
    %swap3A_331 = vector.shape_cast %broadcast_in_dim3A_12 : vector<16xf32> to vector<16xf32>
    tpu.vector_store %arg7[%swap3A_328], %swap3A_331 {strides = array<i32>} : memref<1280xf32, #tpu.memory_space<vmem>>, vector<16xf32>,
    %get3A = arith.constant 0 : index
    %get3A_332 = tpu.vector_load %arg6[%get3A] {strides = array<i32>} : memref<1024xi32, #tpu.memory_space<vmem>>, vector<16xi32>,
    %get3A_333 = vector.shape_cast %get3A_332 : vector<16xi32> to vector<16xi32>
    %slice3A = vector.extract_strided_slice %get3A_333 {offsets = [0], sizes = [1], strides = [1]} : vector<16xi32> to vector<1xi32>
    %squeeze3A = vector.extract %slice3A[0] : i32 from vector<1xi32>
    %get3A_334 = arith.constant 1008 : index
    %get3A_335 = tpu.vector_load %arg6[%get3A_334] {strides = array<i32>} : memref<1024xi32, #tpu.memory_space<vmem>>, vector<16xi32>,
    %get3A_336 = vector.shape_cast %get3A_335 : vector<16xi32> to vector<16xi32>
    %slice3A_337 = vector.extract_strided_slice %get3A_336 {offsets = [15], sizes = [1], strides = [1]} : vector<16xi32> to vector<1xi32>
    %squeeze3A_338 = vector.extract %slice3A_337[0] : i32 from vector<1xi32>
    %add3A_339 = arith.constant 1 : i32
    %add3A_340 = arith.addi %squeeze3A_338, %add3A_339 : i32
    %while3A = arith.constant 0 : i32
    %while3A_341 = arith.subi %add3A_340, %squeeze3A : i32
    %while3A_342 = arith.addi %squeeze3A, %while3A_341 : i32
    %while3A_343 = arith.constant 1 : i32
    %while3A_344 = arith.divsi %while3A_341, %while3A_343 : i32
    %while3A_345 = arith.muli %while3A_344, %while3A_343 : i32
    %while3A_346 = arith.addi %squeeze3A, %while3A_345 : i32
    %while3A_347 = arith.constant 1 : i32
    scf.for %while3A_349 = %squeeze3A to %while3A_346 step %while3A_347  : i32 {
      %scan3A = arith.constant 0 : i32
      %scan3A_350 = arith.constant 64 : i32
      %scan3A_351 = arith.addi %scan3A, %scan3A_350 : i32
      %scan3A_352 = arith.constant 1 : i32
      %scan3A_353:5 = scf.for %scan3A_395 = %scan3A to %scan3A_351 step %scan3A_352 iter_args(%scan3A_396 = %broadcast_in_dim3A_12, %scan3A_397 = %broadcast_in_dim3A_12, %scan3A_398 = %broadcast_in_dim3A_12, %scan3A_399 = %broadcast_in_dim3A_12, %scan3A_400 = %broadcast_in_dim3A_12) -> (vector<16xf32>, vector<16xf32>, vector<16xf32>, vector<16xf32>, vector<16xf32>)  : i32 {
        %mul3A_401 = arith.constant 16 : i32
        %mul3A_402 = arith.muli %scan3A_395, %mul3A_401 : i32
        %get3A_403 = arith.index_cast %mul3A_402 : i32 to index
        %get3A_404 = tpu.vector_load %arg6[%get3A_403] {strides = array<i32>} : memref<1024xi32, #tpu.memory_space<vmem>>, vector<16xi32>,
        %get3A_405 = vector.shape_cast %get3A_404 : vector<16xi32> to vector<16xi32>
        %eq3A = vector.broadcast %while3A_349 : i32 to vector<16xi32>
        %eq3A_406 = arith.cmpi eq, %get3A_405, %eq3A : vector<16xi32>
        %mul3A_407 = arith.constant 16 : i32
        %mul3A_408 = arith.muli %scan3A_395, %mul3A_407 : i32
        %get3A_409 = arith.constant 0 : i32
        %get3A_410 = arith.index_cast %get3A_409 : i32 to index
        %get3A_411 = arith.index_cast %mul3A_408 : i32 to index
        %get3A_412 = tpu.vector_load %arg5[%get3A_410, %get3A_411] {strides = array<i32>} : memref<8x1024xf32, #tpu.memory_space<vmem>>, vector<1x16xf32>,
        %get3A_413 = vector.shape_cast %get3A_412 : vector<1x16xf32> to vector<16xf32>
        %select_n3A = arith.select %eq3A_406, %get3A_413, %broadcast_in_dim3A_12 : vector<16xi1>, vector<16xf32>
        %add3A_414 = arith.addf %scan3A_396, %select_n3A : vector<16xf32>
        %mul3A_415 = arith.constant 16 : i32
        %mul3A_416 = arith.muli %scan3A_395, %mul3A_415 : i32
        %get3A_417 = arith.constant 1 : i32
        %get3A_418 = arith.index_cast %get3A_417 : i32 to index
        %get3A_419 = arith.index_cast %mul3A_416 : i32 to index
        %get3A_420 = tpu.vector_load %arg5[%get3A_418, %get3A_419] {strides = array<i32>} : memref<8x1024xf32, #tpu.memory_space<vmem>>, vector<1x16xf32>,
        %get3A_421 = vector.shape_cast %get3A_420 : vector<1x16xf32> to vector<16xf32>
        %select_n3A_422 = arith.select %eq3A_406, %get3A_421, %broadcast_in_dim3A_12 : vector<16xi1>, vector<16xf32>
        %add3A_423 = arith.addf %scan3A_397, %select_n3A_422 : vector<16xf32>
        %mul3A_424 = arith.constant 16 : i32
        %mul3A_425 = arith.muli %scan3A_395, %mul3A_424 : i32
        %get3A_426 = arith.constant 2 : i32
        %get3A_427 = arith.index_cast %get3A_426 : i32 to index
        %get3A_428 = arith.index_cast %mul3A_425 : i32 to index
        %get3A_429 = tpu.vector_load %arg5[%get3A_427, %get3A_428] {strides = array<i32>} : memref<8x1024xf32, #tpu.memory_space<vmem>>, vector<1x16xf32>,
        %get3A_430 = vector.shape_cast %get3A_429 : vector<1x16xf32> to vector<16xf32>
        %select_n3A_431 = arith.select %eq3A_406, %get3A_430, %broadcast_in_dim3A_12 : vector<16xi1>, vector<16xf32>
        %add3A_432 = arith.addf %scan3A_398, %select_n3A_431 : vector<16xf32>
        %mul3A_433 = arith.constant 16 : i32
        %mul3A_434 = arith.muli %scan3A_395, %mul3A_433 : i32
        %get3A_435 = arith.constant 3 : i32
        %get3A_436 = arith.index_cast %get3A_435 : i32 to index
        %get3A_437 = arith.index_cast %mul3A_434 : i32 to index
        %get3A_438 = tpu.vector_load %arg5[%get3A_436, %get3A_437] {strides = array<i32>} : memref<8x1024xf32, #tpu.memory_space<vmem>>, vector<1x16xf32>,
        %get3A_439 = vector.shape_cast %get3A_438 : vector<1x16xf32> to vector<16xf32>
        %select_n3A_440 = arith.select %eq3A_406, %get3A_439, %broadcast_in_dim3A_12 : vector<16xi1>, vector<16xf32>
        %add3A_441 = arith.addf %scan3A_399, %select_n3A_440 : vector<16xf32>
        %mul3A_442 = arith.constant 16 : i32
        %mul3A_443 = arith.muli %scan3A_395, %mul3A_442 : i32
        %get3A_444 = arith.constant 4 : i32
        %get3A_445 = arith.index_cast %get3A_444 : i32 to index
        %get3A_446 = arith.index_cast %mul3A_443 : i32 to index
        %get3A_447 = tpu.vector_load %arg5[%get3A_445, %get3A_446] {strides = array<i32>} : memref<8x1024xf32, #tpu.memory_space<vmem>>, vector<1x16xf32>,
        %get3A_448 = vector.shape_cast %get3A_447 : vector<1x16xf32> to vector<16xf32>
        %select_n3A_449 = arith.select %eq3A_406, %get3A_448, %broadcast_in_dim3A_12 : vector<16xi1>, vector<16xf32>
        %add3A_450 = arith.addf %scan3A_400, %select_n3A_449 : vector<16xf32>
        scf.yield %add3A_414, %add3A_423, %add3A_432, %add3A_441, %add3A_450 : vector<16xf32>, vector<16xf32>, vector<16xf32>, vector<16xf32>, vector<16xf32>
      }
      %scan3A_354 = arith.constant 64 : i32
      %mul3A_355 = arith.constant 16 : i32
      %mul3A_356 = arith.muli %while3A_349, %mul3A_355 : i32
      %add3A_357 = arith.constant 0 : i32
      %add3A_358 = arith.addi %add3A_357, %mul3A_356 : i32
      %swap3A_359 = arith.index_cast %add3A_358 : i32 to index
      %swap3A_360 = tpu.vector_load %arg7[%swap3A_359] {strides = array<i32>} : memref<1280xf32, #tpu.memory_space<vmem>>, vector<16xf32>,
      %swap3A_361 = vector.shape_cast %swap3A_360 : vector<16xf32> to vector<16xf32>
      %swap3A_362 = vector.shape_cast %scan3A_353#0 : vector<16xf32> to vector<16xf32>
      tpu.vector_store %arg7[%swap3A_359], %swap3A_362 {strides = array<i32>} : memref<1280xf32, #tpu.memory_space<vmem>>, vector<16xf32>,
      %mul3A_363 = arith.constant 16 : i32
      %mul3A_364 = arith.muli %while3A_349, %mul3A_363 : i32
      %add3A_365 = arith.constant 256 : i32
      %add3A_366 = arith.addi %add3A_365, %mul3A_364 : i32
      %swap3A_367 = arith.index_cast %add3A_366 : i32 to index
      %swap3A_368 = tpu.vector_load %arg7[%swap3A_367] {strides = array<i32>} : memref<1280xf32, #tpu.memory_space<vmem>>, vector<16xf32>,
      %swap3A_369 = vector.shape_cast %swap3A_368 : vector<16xf32> to vector<16xf32>
      %swap3A_370 = vector.shape_cast %scan3A_353#1 : vector<16xf32> to vector<16xf32>
      tpu.vector_store %arg7[%swap3A_367], %swap3A_370 {strides = array<i32>} : memref<1280xf32, #tpu.memory_space<vmem>>, vector<16xf32>,
      %mul3A_371 = arith.constant 16 : i32
      %mul3A_372 = arith.muli %while3A_349, %mul3A_371 : i32
      %add3A_373 = arith.constant 512 : i32
      %add3A_374 = arith.addi %add3A_373, %mul3A_372 : i32
      %swap3A_375 = arith.index_cast %add3A_374 : i32 to index
      %swap3A_376 = tpu.vector_load %arg7[%swap3A_375] {strides = array<i32>} : memref<1280xf32, #tpu.memory_space<vmem>>, vector<16xf32>,
      %swap3A_377 = vector.shape_cast %swap3A_376 : vector<16xf32> to vector<16xf32>
      %swap3A_378 = vector.shape_cast %scan3A_353#2 : vector<16xf32> to vector<16xf32>
      tpu.vector_store %arg7[%swap3A_375], %swap3A_378 {strides = array<i32>} : memref<1280xf32, #tpu.memory_space<vmem>>, vector<16xf32>,
      %mul3A_379 = arith.constant 16 : i32
      %mul3A_380 = arith.muli %while3A_349, %mul3A_379 : i32
      %add3A_381 = arith.constant 768 : i32
      %add3A_382 = arith.addi %add3A_381, %mul3A_380 : i32
      %swap3A_383 = arith.index_cast %add3A_382 : i32 to index
      %swap3A_384 = tpu.vector_load %arg7[%swap3A_383] {strides = array<i32>} : memref<1280xf32, #tpu.memory_space<vmem>>, vector<16xf32>,
      %swap3A_385 = vector.shape_cast %swap3A_384 : vector<16xf32> to vector<16xf32>
      %swap3A_386 = vector.shape_cast %scan3A_353#3 : vector<16xf32> to vector<16xf32>
      tpu.vector_store %arg7[%swap3A_383], %swap3A_386 {strides = array<i32>} : memref<1280xf32, #tpu.memory_space<vmem>>, vector<16xf32>,
      %mul3A_387 = arith.constant 16 : i32
      %mul3A_388 = arith.muli %while3A_349, %mul3A_387 : i32
      %add3A_389 = arith.constant 1024 : i32
      %add3A_390 = arith.addi %add3A_389, %mul3A_388 : i32
      %swap3A_391 = arith.index_cast %add3A_390 : i32 to index
      %swap3A_392 = tpu.vector_load %arg7[%swap3A_391] {strides = array<i32>} : memref<1280xf32, #tpu.memory_space<vmem>>, vector<16xf32>,
      %swap3A_393 = vector.shape_cast %swap3A_392 : vector<16xf32> to vector<16xf32>
      %swap3A_394 = vector.shape_cast %scan3A_353#4 : vector<16xf32> to vector<16xf32>
      tpu.vector_store %arg7[%swap3A_391], %swap3A_394 {strides = array<i32>} : memref<1280xf32, #tpu.memory_space<vmem>>, vector<16xf32>,
    }
    %while3A_348 = arith.constant 1 : i32
    scf.for %while3A_349 = %while3A_346 to %while3A_342 step %while3A_348  : i32 {
      %scan3A = arith.constant 0 : i32
      %scan3A_350 = arith.constant 64 : i32
      %scan3A_351 = arith.addi %scan3A, %scan3A_350 : i32
      %scan3A_352 = arith.constant 1 : i32
      %scan3A_353:5 = scf.for %scan3A_395 = %scan3A to %scan3A_351 step %scan3A_352 iter_args(%scan3A_396 = %broadcast_in_dim3A_12, %scan3A_397 = %broadcast_in_dim3A_12, %scan3A_398 = %broadcast_in_dim3A_12, %scan3A_399 = %broadcast_in_dim3A_12, %scan3A_400 = %broadcast_in_dim3A_12) -> (vector<16xf32>, vector<16xf32>, vector<16xf32>, vector<16xf32>, vector<16xf32>)  : i32 {
        %mul3A_401 = arith.constant 16 : i32
        %mul3A_402 = arith.muli %scan3A_395, %mul3A_401 : i32
        %get3A_403 = arith.index_cast %mul3A_402 : i32 to index
        %get3A_404 = tpu.vector_load %arg6[%get3A_403] {strides = array<i32>} : memref<1024xi32, #tpu.memory_space<vmem>>, vector<16xi32>,
        %get3A_405 = vector.shape_cast %get3A_404 : vector<16xi32> to vector<16xi32>
        %eq3A = vector.broadcast %while3A_349 : i32 to vector<16xi32>
        %eq3A_406 = arith.cmpi eq, %get3A_405, %eq3A : vector<16xi32>
        %mul3A_407 = arith.constant 16 : i32
        %mul3A_408 = arith.muli %scan3A_395, %mul3A_407 : i32
        %get3A_409 = arith.constant 0 : i32
        %get3A_410 = arith.index_cast %get3A_409 : i32 to index
        %get3A_411 = arith.index_cast %mul3A_408 : i32 to index
        %get3A_412 = tpu.vector_load %arg5[%get3A_410, %get3A_411] {strides = array<i32>} : memref<8x1024xf32, #tpu.memory_space<vmem>>, vector<1x16xf32>,
        %get3A_413 = vector.shape_cast %get3A_412 : vector<1x16xf32> to vector<16xf32>
        %select_n3A = arith.select %eq3A_406, %get3A_413, %broadcast_in_dim3A_12 : vector<16xi1>, vector<16xf32>
        %add3A_414 = arith.addf %scan3A_396, %select_n3A : vector<16xf32>
        %mul3A_415 = arith.constant 16 : i32
        %mul3A_416 = arith.muli %scan3A_395, %mul3A_415 : i32
        %get3A_417 = arith.constant 1 : i32
        %get3A_418 = arith.index_cast %get3A_417 : i32 to index
        %get3A_419 = arith.index_cast %mul3A_416 : i32 to index
        %get3A_420 = tpu.vector_load %arg5[%get3A_418, %get3A_419] {strides = array<i32>} : memref<8x1024xf32, #tpu.memory_space<vmem>>, vector<1x16xf32>,
        %get3A_421 = vector.shape_cast %get3A_420 : vector<1x16xf32> to vector<16xf32>
        %select_n3A_422 = arith.select %eq3A_406, %get3A_421, %broadcast_in_dim3A_12 : vector<16xi1>, vector<16xf32>
        %add3A_423 = arith.addf %scan3A_397, %select_n3A_422 : vector<16xf32>
        %mul3A_424 = arith.constant 16 : i32
        %mul3A_425 = arith.muli %scan3A_395, %mul3A_424 : i32
        %get3A_426 = arith.constant 2 : i32
        %get3A_427 = arith.index_cast %get3A_426 : i32 to index
        %get3A_428 = arith.index_cast %mul3A_425 : i32 to index
        %get3A_429 = tpu.vector_load %arg5[%get3A_427, %get3A_428] {strides = array<i32>} : memref<8x1024xf32, #tpu.memory_space<vmem>>, vector<1x16xf32>,
        %get3A_430 = vector.shape_cast %get3A_429 : vector<1x16xf32> to vector<16xf32>
        %select_n3A_431 = arith.select %eq3A_406, %get3A_430, %broadcast_in_dim3A_12 : vector<16xi1>, vector<16xf32>
        %add3A_432 = arith.addf %scan3A_398, %select_n3A_431 : vector<16xf32>
        %mul3A_433 = arith.constant 16 : i32
        %mul3A_434 = arith.muli %scan3A_395, %mul3A_433 : i32
        %get3A_435 = arith.constant 3 : i32
        %get3A_436 = arith.index_cast %get3A_435 : i32 to index
        %get3A_437 = arith.index_cast %mul3A_434 : i32 to index
        %get3A_438 = tpu.vector_load %arg5[%get3A_436, %get3A_437] {strides = array<i32>} : memref<8x1024xf32, #tpu.memory_space<vmem>>, vector<1x16xf32>,
        %get3A_439 = vector.shape_cast %get3A_438 : vector<1x16xf32> to vector<16xf32>
        %select_n3A_440 = arith.select %eq3A_406, %get3A_439, %broadcast_in_dim3A_12 : vector<16xi1>, vector<16xf32>
        %add3A_441 = arith.addf %scan3A_399, %select_n3A_440 : vector<16xf32>
        %mul3A_442 = arith.constant 16 : i32
        %mul3A_443 = arith.muli %scan3A_395, %mul3A_442 : i32
        %get3A_444 = arith.constant 4 : i32
        %get3A_445 = arith.index_cast %get3A_444 : i32 to index
        %get3A_446 = arith.index_cast %mul3A_443 : i32 to index
        %get3A_447 = tpu.vector_load %arg5[%get3A_445, %get3A_446] {strides = array<i32>} : memref<8x1024xf32, #tpu.memory_space<vmem>>, vector<1x16xf32>,
        %get3A_448 = vector.shape_cast %get3A_447 : vector<1x16xf32> to vector<16xf32>
        %select_n3A_449 = arith.select %eq3A_406, %get3A_448, %broadcast_in_dim3A_12 : vector<16xi1>, vector<16xf32>
        %add3A_450 = arith.addf %scan3A_400, %select_n3A_449 : vector<16xf32>
        scf.yield %add3A_414, %add3A_423, %add3A_432, %add3A_441, %add3A_450 : vector<16xf32>, vector<16xf32>, vector<16xf32>, vector<16xf32>, vector<16xf32>
      }
      %scan3A_354 = arith.constant 64 : i32
      %mul3A_355 = arith.constant 16 : i32
      %mul3A_356 = arith.muli %while3A_349, %mul3A_355 : i32
      %add3A_357 = arith.constant 0 : i32
      %add3A_358 = arith.addi %add3A_357, %mul3A_356 : i32
      %swap3A_359 = arith.index_cast %add3A_358 : i32 to index
      %swap3A_360 = tpu.vector_load %arg7[%swap3A_359] {strides = array<i32>} : memref<1280xf32, #tpu.memory_space<vmem>>, vector<16xf32>,
      %swap3A_361 = vector.shape_cast %swap3A_360 : vector<16xf32> to vector<16xf32>
      %swap3A_362 = vector.shape_cast %scan3A_353#0 : vector<16xf32> to vector<16xf32>
      tpu.vector_store %arg7[%swap3A_359], %swap3A_362 {strides = array<i32>} : memref<1280xf32, #tpu.memory_space<vmem>>, vector<16xf32>,
      %mul3A_363 = arith.constant 16 : i32
      %mul3A_364 = arith.muli %while3A_349, %mul3A_363 : i32
      %add3A_365 = arith.constant 256 : i32
      %add3A_366 = arith.addi %add3A_365, %mul3A_364 : i32
      %swap3A_367 = arith.index_cast %add3A_366 : i32 to index
      %swap3A_368 = tpu.vector_load %arg7[%swap3A_367] {strides = array<i32>} : memref<1280xf32, #tpu.memory_space<vmem>>, vector<16xf32>,
      %swap3A_369 = vector.shape_cast %swap3A_368 : vector<16xf32> to vector<16xf32>
      %swap3A_370 = vector.shape_cast %scan3A_353#1 : vector<16xf32> to vector<16xf32>
      tpu.vector_store %arg7[%swap3A_367], %swap3A_370 {strides = array<i32>} : memref<1280xf32, #tpu.memory_space<vmem>>, vector<16xf32>,
      %mul3A_371 = arith.constant 16 : i32
      %mul3A_372 = arith.muli %while3A_349, %mul3A_371 : i32
      %add3A_373 = arith.constant 512 : i32
      %add3A_374 = arith.addi %add3A_373, %mul3A_372 : i32
      %swap3A_375 = arith.index_cast %add3A_374 : i32 to index
      %swap3A_376 = tpu.vector_load %arg7[%swap3A_375] {strides = array<i32>} : memref<1280xf32, #tpu.memory_space<vmem>>, vector<16xf32>,
      %swap3A_377 = vector.shape_cast %swap3A_376 : vector<16xf32> to vector<16xf32>
      %swap3A_378 = vector.shape_cast %scan3A_353#2 : vector<16xf32> to vector<16xf32>
      tpu.vector_store %arg7[%swap3A_375], %swap3A_378 {strides = array<i32>} : memref<1280xf32, #tpu.memory_space<vmem>>, vector<16xf32>,
      %mul3A_379 = arith.constant 16 : i32
      %mul3A_380 = arith.muli %while3A_349, %mul3A_379 : i32
      %add3A_381 = arith.constant 768 : i32
      %add3A_382 = arith.addi %add3A_381, %mul3A_380 : i32
      %swap3A_383 = arith.index_cast %add3A_382 : i32 to index
      %swap3A_384 = tpu.vector_load %arg7[%swap3A_383] {strides = array<i32>} : memref<1280xf32, #tpu.memory_space<vmem>>, vector<16xf32>,
      %swap3A_385 = vector.shape_cast %swap3A_384 : vector<16xf32> to vector<16xf32>
      %swap3A_386 = vector.shape_cast %scan3A_353#3 : vector<16xf32> to vector<16xf32>
      tpu.vector_store %arg7[%swap3A_383], %swap3A_386 {strides = array<i32>} : memref<1280xf32, #tpu.memory_space<vmem>>, vector<16xf32>,
      %mul3A_387 = arith.constant 16 : i32
      %mul3A_388 = arith.muli %while3A_349, %mul3A_387 : i32
      %add3A_389 = arith.constant 1024 : i32
      %add3A_390 = arith.addi %add3A_389, %mul3A_388 : i32
      %swap3A_391 = arith.index_cast %add3A_390 : i32 to index
      %swap3A_392 = tpu.vector_load %arg7[%swap3A_391] {strides = array<i32>} : memref<1280xf32, #tpu.memory_space<vmem>>, vector<16xf32>,
      %swap3A_393 = vector.shape_cast %swap3A_392 : vector<16xf32> to vector<16xf32>
      %swap3A_394 = vector.shape_cast %scan3A_353#4 : vector<16xf32> to vector<16xf32>
      tpu.vector_store %arg7[%swap3A_391], %swap3A_394 {strides = array<i32>} : memref<1280xf32, #tpu.memory_space<vmem>>, vector<16xf32>,
    }
    "tpu.region"() ({
      %run_scoped3A_349 = tpu.sem_alloc : memref<!tpu.dma_semaphore, #tpu.memory_space<semaphore_mem>>
      %dma_start3A = arith.constant 0 : i32
      %dma_start3A_350 = tpu.memref_slice %arg4[%add3A, %dma_start3A] : memref<32x1280xf32, #tpu.memory_space<hbm>> -> memref<1x1280xf32, #tpu.memory_space<hbm>>
      %dma_start3A_351 = tpu.memref_squeeze %dma_start3A_350 : memref<1x1280xf32, #tpu.memory_space<hbm>> -> memref<1280xf32, #tpu.memory_space<hbm>>
      %dma_start3A_352 = arith.constant 0 : i32
      %dma_start3A_353 = tpu.memref_slice %arg4[%add3A, %dma_start3A_352] : memref<32x1280xf32, #tpu.memory_space<hbm>> -> memref<1x1280xf32, #tpu.memory_space<hbm>>
      %dma_start3A_354 = tpu.memref_squeeze %dma_start3A_353 : memref<1x1280xf32, #tpu.memory_space<hbm>> -> memref<1280xf32, #tpu.memory_space<hbm>>
      tpu.enqueue_dma source(%arg7 : memref<1280xf32, #tpu.memory_space<vmem>>) target(%dma_start3A_354 : memref<1280xf32, #tpu.memory_space<hbm>>) target_semaphore(%run_scoped3A_349 : memref<!tpu.dma_semaphore, #tpu.memory_space<semaphore_mem>>)
      %dma_wait3A = arith.constant 0 : i32
      %dma_wait3A_355 = tpu.memref_slice %arg4[%add3A, %dma_wait3A] : memref<32x1280xf32, #tpu.memory_space<hbm>> -> memref<1x1280xf32, #tpu.memory_space<hbm>>
      %dma_wait3A_356 = tpu.memref_squeeze %dma_wait3A_355 : memref<1x1280xf32, #tpu.memory_space<hbm>> -> memref<1280xf32, #tpu.memory_space<hbm>>
      %dma_wait3A_357 = arith.constant 0 : i32
      %dma_wait3A_358 = tpu.memref_slice %arg4[%add3A, %dma_wait3A_357] : memref<32x1280xf32, #tpu.memory_space<hbm>> -> memref<1x1280xf32, #tpu.memory_space<hbm>>
      %dma_wait3A_359 = tpu.memref_squeeze %dma_wait3A_358 : memref<1x1280xf32, #tpu.memory_space<hbm>> -> memref<1280xf32, #tpu.memory_space<hbm>>
      tpu.wait_dma2 semaphore(%run_scoped3A_349 : memref<!tpu.dma_semaphore, #tpu.memory_space<semaphore_mem>>) src(%arg7 : memref<1280xf32, #tpu.memory_space<vmem>>) dst(%dma_wait3A_359 : memref<1280xf32, #tpu.memory_space<hbm>>)
      tpu.yield
    }) : () -> ()
    return
  }
}

module attributes {stable_mosaic.version = 14 : i64} {
  func.func @_epilogue_body(%arg0: i32, %arg1: memref<32x1280xf32, #tpu.memory_space<vmem>>, %arg2: memref<5x4xf32, #tpu.memory_space<vmem>>, %arg3: memref<1x16xf32, #tpu.memory_space<vmem>>, %arg4: memref<5x16xf32, #tpu.memory_space<vmem>>) attributes {dimension_semantics = [#tpu.dimension_semantics<arbitrary>], iteration_bounds = array<i64: 1>, scalar_prefetch = 0 : i64, scratch_operands = 0 : i64, tpu.core_type = #tpu.core_type<tc>, window_params = [{pipeline_mode = #tpu.pipeline_mode<synchronous>, transform_indices = @transform_0, window_bounds = array<i64: 32, 1280>}, {pipeline_mode = #tpu.pipeline_mode<synchronous>, transform_indices = @transform_1, window_bounds = array<i64: 5, 4>}, {pipeline_mode = #tpu.pipeline_mode<synchronous>, transform_indices = @transform_2, window_bounds = array<i64: 1, 16>}, {pipeline_mode = #tpu.pipeline_mode<synchronous>, transform_indices = @transform_3, window_bounds = array<i64: 5, 16>}]} {
    %get3A = arith.constant 0 : index
    %get3A_0 = arith.constant 0 : index
    %get3A_1 = vector.load %arg1[%get3A, %get3A_0] : memref<32x1280xf32, #tpu.memory_space<vmem>>, vector<32x1280xf32>
    %reduce_sum3A = arith.constant dense<0.000000e+00> : vector<1280xf32>
    %reduce_sum3A_2 = vector.multi_reduction <add>, %get3A_1, %reduce_sum3A [0] : vector<32x1280xf32> to vector<1280xf32>
    %broadcast_in_dim3A = vector.shape_cast %reduce_sum3A_2 : vector<1280xf32> to vector<1x1280xf32>
    %slice3A = vector.extract_strided_slice %broadcast_in_dim3A {offsets = [0, 0], sizes = [1, 16], strides = [1, 1]} : vector<1x1280xf32> to vector<1x16xf32>
    %reduce_sum3A_3 = arith.constant dense<0.000000e+00> : vector<1xf32>
    %reduce_sum3A_4 = vector.multi_reduction <add>, %slice3A, %reduce_sum3A_3 [1] : vector<1x16xf32> to vector<1xf32>
    %broadcast_in_dim3A_5 = vector.shape_cast %reduce_sum3A_4 : vector<1xf32> to vector<1x1xf32>
    %slice3A_6 = vector.extract_strided_slice %broadcast_in_dim3A {offsets = [0, 16], sizes = [1, 16], strides = [1, 1]} : vector<1x1280xf32> to vector<1x16xf32>
    %reduce_sum3A_7 = arith.constant dense<0.000000e+00> : vector<1xf32>
    %reduce_sum3A_8 = vector.multi_reduction <add>, %slice3A_6, %reduce_sum3A_7 [1] : vector<1x16xf32> to vector<1xf32>
    %broadcast_in_dim3A_9 = vector.shape_cast %reduce_sum3A_8 : vector<1xf32> to vector<1x1xf32>
    %slice3A_10 = vector.extract_strided_slice %broadcast_in_dim3A {offsets = [0, 32], sizes = [1, 16], strides = [1, 1]} : vector<1x1280xf32> to vector<1x16xf32>
    %reduce_sum3A_11 = arith.constant dense<0.000000e+00> : vector<1xf32>
    %reduce_sum3A_12 = vector.multi_reduction <add>, %slice3A_10, %reduce_sum3A_11 [1] : vector<1x16xf32> to vector<1xf32>
    %broadcast_in_dim3A_13 = vector.shape_cast %reduce_sum3A_12 : vector<1xf32> to vector<1x1xf32>
    %slice3A_14 = vector.extract_strided_slice %broadcast_in_dim3A {offsets = [0, 48], sizes = [1, 16], strides = [1, 1]} : vector<1x1280xf32> to vector<1x16xf32>
    %reduce_sum3A_15 = arith.constant dense<0.000000e+00> : vector<1xf32>
    %reduce_sum3A_16 = vector.multi_reduction <add>, %slice3A_14, %reduce_sum3A_15 [1] : vector<1x16xf32> to vector<1xf32>
    %broadcast_in_dim3A_17 = vector.shape_cast %reduce_sum3A_16 : vector<1xf32> to vector<1x1xf32>
    %slice3A_18 = vector.extract_strided_slice %broadcast_in_dim3A {offsets = [0, 64], sizes = [1, 16], strides = [1, 1]} : vector<1x1280xf32> to vector<1x16xf32>
    %reduce_sum3A_19 = arith.constant dense<0.000000e+00> : vector<1xf32>
    %reduce_sum3A_20 = vector.multi_reduction <add>, %slice3A_18, %reduce_sum3A_19 [1] : vector<1x16xf32> to vector<1xf32>
    %broadcast_in_dim3A_21 = vector.shape_cast %reduce_sum3A_20 : vector<1xf32> to vector<1x1xf32>
    %slice3A_22 = vector.extract_strided_slice %broadcast_in_dim3A {offsets = [0, 80], sizes = [1, 16], strides = [1, 1]} : vector<1x1280xf32> to vector<1x16xf32>
    %reduce_sum3A_23 = arith.constant dense<0.000000e+00> : vector<1xf32>
    %reduce_sum3A_24 = vector.multi_reduction <add>, %slice3A_22, %reduce_sum3A_23 [1] : vector<1x16xf32> to vector<1xf32>
    %broadcast_in_dim3A_25 = vector.shape_cast %reduce_sum3A_24 : vector<1xf32> to vector<1x1xf32>
    %slice3A_26 = vector.extract_strided_slice %broadcast_in_dim3A {offsets = [0, 96], sizes = [1, 16], strides = [1, 1]} : vector<1x1280xf32> to vector<1x16xf32>
    %reduce_sum3A_27 = arith.constant dense<0.000000e+00> : vector<1xf32>
    %reduce_sum3A_28 = vector.multi_reduction <add>, %slice3A_26, %reduce_sum3A_27 [1] : vector<1x16xf32> to vector<1xf32>
    %broadcast_in_dim3A_29 = vector.shape_cast %reduce_sum3A_28 : vector<1xf32> to vector<1x1xf32>
    %slice3A_30 = vector.extract_strided_slice %broadcast_in_dim3A {offsets = [0, 112], sizes = [1, 16], strides = [1, 1]} : vector<1x1280xf32> to vector<1x16xf32>
    %reduce_sum3A_31 = arith.constant dense<0.000000e+00> : vector<1xf32>
    %reduce_sum3A_32 = vector.multi_reduction <add>, %slice3A_30, %reduce_sum3A_31 [1] : vector<1x16xf32> to vector<1xf32>
    %broadcast_in_dim3A_33 = vector.shape_cast %reduce_sum3A_32 : vector<1xf32> to vector<1x1xf32>
    %slice3A_34 = vector.extract_strided_slice %broadcast_in_dim3A {offsets = [0, 128], sizes = [1, 16], strides = [1, 1]} : vector<1x1280xf32> to vector<1x16xf32>
    %reduce_sum3A_35 = arith.constant dense<0.000000e+00> : vector<1xf32>
    %reduce_sum3A_36 = vector.multi_reduction <add>, %slice3A_34, %reduce_sum3A_35 [1] : vector<1x16xf32> to vector<1xf32>
    %broadcast_in_dim3A_37 = vector.shape_cast %reduce_sum3A_36 : vector<1xf32> to vector<1x1xf32>
    %slice3A_38 = vector.extract_strided_slice %broadcast_in_dim3A {offsets = [0, 144], sizes = [1, 16], strides = [1, 1]} : vector<1x1280xf32> to vector<1x16xf32>
    %reduce_sum3A_39 = arith.constant dense<0.000000e+00> : vector<1xf32>
    %reduce_sum3A_40 = vector.multi_reduction <add>, %slice3A_38, %reduce_sum3A_39 [1] : vector<1x16xf32> to vector<1xf32>
    %broadcast_in_dim3A_41 = vector.shape_cast %reduce_sum3A_40 : vector<1xf32> to vector<1x1xf32>
    %slice3A_42 = vector.extract_strided_slice %broadcast_in_dim3A {offsets = [0, 160], sizes = [1, 16], strides = [1, 1]} : vector<1x1280xf32> to vector<1x16xf32>
    %reduce_sum3A_43 = arith.constant dense<0.000000e+00> : vector<1xf32>
    %reduce_sum3A_44 = vector.multi_reduction <add>, %slice3A_42, %reduce_sum3A_43 [1] : vector<1x16xf32> to vector<1xf32>
    %broadcast_in_dim3A_45 = vector.shape_cast %reduce_sum3A_44 : vector<1xf32> to vector<1x1xf32>
    %slice3A_46 = vector.extract_strided_slice %broadcast_in_dim3A {offsets = [0, 176], sizes = [1, 16], strides = [1, 1]} : vector<1x1280xf32> to vector<1x16xf32>
    %reduce_sum3A_47 = arith.constant dense<0.000000e+00> : vector<1xf32>
    %reduce_sum3A_48 = vector.multi_reduction <add>, %slice3A_46, %reduce_sum3A_47 [1] : vector<1x16xf32> to vector<1xf32>
    %broadcast_in_dim3A_49 = vector.shape_cast %reduce_sum3A_48 : vector<1xf32> to vector<1x1xf32>
    %slice3A_50 = vector.extract_strided_slice %broadcast_in_dim3A {offsets = [0, 192], sizes = [1, 16], strides = [1, 1]} : vector<1x1280xf32> to vector<1x16xf32>
    %reduce_sum3A_51 = arith.constant dense<0.000000e+00> : vector<1xf32>
    %reduce_sum3A_52 = vector.multi_reduction <add>, %slice3A_50, %reduce_sum3A_51 [1] : vector<1x16xf32> to vector<1xf32>
    %broadcast_in_dim3A_53 = vector.shape_cast %reduce_sum3A_52 : vector<1xf32> to vector<1x1xf32>
    %slice3A_54 = vector.extract_strided_slice %broadcast_in_dim3A {offsets = [0, 208], sizes = [1, 16], strides = [1, 1]} : vector<1x1280xf32> to vector<1x16xf32>
    %reduce_sum3A_55 = arith.constant dense<0.000000e+00> : vector<1xf32>
    %reduce_sum3A_56 = vector.multi_reduction <add>, %slice3A_54, %reduce_sum3A_55 [1] : vector<1x16xf32> to vector<1xf32>
    %broadcast_in_dim3A_57 = vector.shape_cast %reduce_sum3A_56 : vector<1xf32> to vector<1x1xf32>
    %slice3A_58 = vector.extract_strided_slice %broadcast_in_dim3A {offsets = [0, 224], sizes = [1, 16], strides = [1, 1]} : vector<1x1280xf32> to vector<1x16xf32>
    %reduce_sum3A_59 = arith.constant dense<0.000000e+00> : vector<1xf32>
    %reduce_sum3A_60 = vector.multi_reduction <add>, %slice3A_58, %reduce_sum3A_59 [1] : vector<1x16xf32> to vector<1xf32>
    %broadcast_in_dim3A_61 = vector.shape_cast %reduce_sum3A_60 : vector<1xf32> to vector<1x1xf32>
    %slice3A_62 = vector.extract_strided_slice %broadcast_in_dim3A {offsets = [0, 240], sizes = [1, 16], strides = [1, 1]} : vector<1x1280xf32> to vector<1x16xf32>
    %reduce_sum3A_63 = arith.constant dense<0.000000e+00> : vector<1xf32>
    %reduce_sum3A_64 = vector.multi_reduction <add>, %slice3A_62, %reduce_sum3A_63 [1] : vector<1x16xf32> to vector<1xf32>
    %broadcast_in_dim3A_65 = vector.shape_cast %reduce_sum3A_64 : vector<1xf32> to vector<1x1xf32>
    %concatenate3A = tpu.concatenate %broadcast_in_dim3A_5, %broadcast_in_dim3A_9, %broadcast_in_dim3A_13, %broadcast_in_dim3A_17, %broadcast_in_dim3A_21, %broadcast_in_dim3A_25, %broadcast_in_dim3A_29, %broadcast_in_dim3A_33, %broadcast_in_dim3A_37, %broadcast_in_dim3A_41, %broadcast_in_dim3A_45, %broadcast_in_dim3A_49, %broadcast_in_dim3A_53, %broadcast_in_dim3A_57, %broadcast_in_dim3A_61, %broadcast_in_dim3A_65 in 1 : vector<1x1xf32>, vector<1x1xf32>, vector<1x1xf32>, vector<1x1xf32>, vector<1x1xf32>, vector<1x1xf32>, vector<1x1xf32>, vector<1x1xf32>, vector<1x1xf32>, vector<1x1xf32>, vector<1x1xf32>, vector<1x1xf32>, vector<1x1xf32>, vector<1x1xf32>, vector<1x1xf32>, vector<1x1xf32> -> vector<1x16xf32>
    %slice3A_66 = vector.extract_strided_slice %broadcast_in_dim3A {offsets = [0, 256], sizes = [1, 16], strides = [1, 1]} : vector<1x1280xf32> to vector<1x16xf32>
    %reduce_sum3A_67 = arith.constant dense<0.000000e+00> : vector<1xf32>
    %reduce_sum3A_68 = vector.multi_reduction <add>, %slice3A_66, %reduce_sum3A_67 [1] : vector<1x16xf32> to vector<1xf32>
    %broadcast_in_dim3A_69 = vector.shape_cast %reduce_sum3A_68 : vector<1xf32> to vector<1x1xf32>
    %slice3A_70 = vector.extract_strided_slice %broadcast_in_dim3A {offsets = [0, 272], sizes = [1, 16], strides = [1, 1]} : vector<1x1280xf32> to vector<1x16xf32>
    %reduce_sum3A_71 = arith.constant dense<0.000000e+00> : vector<1xf32>
    %reduce_sum3A_72 = vector.multi_reduction <add>, %slice3A_70, %reduce_sum3A_71 [1] : vector<1x16xf32> to vector<1xf32>
    %broadcast_in_dim3A_73 = vector.shape_cast %reduce_sum3A_72 : vector<1xf32> to vector<1x1xf32>
    %slice3A_74 = vector.extract_strided_slice %broadcast_in_dim3A {offsets = [0, 288], sizes = [1, 16], strides = [1, 1]} : vector<1x1280xf32> to vector<1x16xf32>
    %reduce_sum3A_75 = arith.constant dense<0.000000e+00> : vector<1xf32>
    %reduce_sum3A_76 = vector.multi_reduction <add>, %slice3A_74, %reduce_sum3A_75 [1] : vector<1x16xf32> to vector<1xf32>
    %broadcast_in_dim3A_77 = vector.shape_cast %reduce_sum3A_76 : vector<1xf32> to vector<1x1xf32>
    %slice3A_78 = vector.extract_strided_slice %broadcast_in_dim3A {offsets = [0, 304], sizes = [1, 16], strides = [1, 1]} : vector<1x1280xf32> to vector<1x16xf32>
    %reduce_sum3A_79 = arith.constant dense<0.000000e+00> : vector<1xf32>
    %reduce_sum3A_80 = vector.multi_reduction <add>, %slice3A_78, %reduce_sum3A_79 [1] : vector<1x16xf32> to vector<1xf32>
    %broadcast_in_dim3A_81 = vector.shape_cast %reduce_sum3A_80 : vector<1xf32> to vector<1x1xf32>
    %slice3A_82 = vector.extract_strided_slice %broadcast_in_dim3A {offsets = [0, 320], sizes = [1, 16], strides = [1, 1]} : vector<1x1280xf32> to vector<1x16xf32>
    %reduce_sum3A_83 = arith.constant dense<0.000000e+00> : vector<1xf32>
    %reduce_sum3A_84 = vector.multi_reduction <add>, %slice3A_82, %reduce_sum3A_83 [1] : vector<1x16xf32> to vector<1xf32>
    %broadcast_in_dim3A_85 = vector.shape_cast %reduce_sum3A_84 : vector<1xf32> to vector<1x1xf32>
    %slice3A_86 = vector.extract_strided_slice %broadcast_in_dim3A {offsets = [0, 336], sizes = [1, 16], strides = [1, 1]} : vector<1x1280xf32> to vector<1x16xf32>
    %reduce_sum3A_87 = arith.constant dense<0.000000e+00> : vector<1xf32>
    %reduce_sum3A_88 = vector.multi_reduction <add>, %slice3A_86, %reduce_sum3A_87 [1] : vector<1x16xf32> to vector<1xf32>
    %broadcast_in_dim3A_89 = vector.shape_cast %reduce_sum3A_88 : vector<1xf32> to vector<1x1xf32>
    %slice3A_90 = vector.extract_strided_slice %broadcast_in_dim3A {offsets = [0, 352], sizes = [1, 16], strides = [1, 1]} : vector<1x1280xf32> to vector<1x16xf32>
    %reduce_sum3A_91 = arith.constant dense<0.000000e+00> : vector<1xf32>
    %reduce_sum3A_92 = vector.multi_reduction <add>, %slice3A_90, %reduce_sum3A_91 [1] : vector<1x16xf32> to vector<1xf32>
    %broadcast_in_dim3A_93 = vector.shape_cast %reduce_sum3A_92 : vector<1xf32> to vector<1x1xf32>
    %slice3A_94 = vector.extract_strided_slice %broadcast_in_dim3A {offsets = [0, 368], sizes = [1, 16], strides = [1, 1]} : vector<1x1280xf32> to vector<1x16xf32>
    %reduce_sum3A_95 = arith.constant dense<0.000000e+00> : vector<1xf32>
    %reduce_sum3A_96 = vector.multi_reduction <add>, %slice3A_94, %reduce_sum3A_95 [1] : vector<1x16xf32> to vector<1xf32>
    %broadcast_in_dim3A_97 = vector.shape_cast %reduce_sum3A_96 : vector<1xf32> to vector<1x1xf32>
    %slice3A_98 = vector.extract_strided_slice %broadcast_in_dim3A {offsets = [0, 384], sizes = [1, 16], strides = [1, 1]} : vector<1x1280xf32> to vector<1x16xf32>
    %reduce_sum3A_99 = arith.constant dense<0.000000e+00> : vector<1xf32>
    %reduce_sum3A_100 = vector.multi_reduction <add>, %slice3A_98, %reduce_sum3A_99 [1] : vector<1x16xf32> to vector<1xf32>
    %broadcast_in_dim3A_101 = vector.shape_cast %reduce_sum3A_100 : vector<1xf32> to vector<1x1xf32>
    %slice3A_102 = vector.extract_strided_slice %broadcast_in_dim3A {offsets = [0, 400], sizes = [1, 16], strides = [1, 1]} : vector<1x1280xf32> to vector<1x16xf32>
    %reduce_sum3A_103 = arith.constant dense<0.000000e+00> : vector<1xf32>
    %reduce_sum3A_104 = vector.multi_reduction <add>, %slice3A_102, %reduce_sum3A_103 [1] : vector<1x16xf32> to vector<1xf32>
    %broadcast_in_dim3A_105 = vector.shape_cast %reduce_sum3A_104 : vector<1xf32> to vector<1x1xf32>
    %slice3A_106 = vector.extract_strided_slice %broadcast_in_dim3A {offsets = [0, 416], sizes = [1, 16], strides = [1, 1]} : vector<1x1280xf32> to vector<1x16xf32>
    %reduce_sum3A_107 = arith.constant dense<0.000000e+00> : vector<1xf32>
    %reduce_sum3A_108 = vector.multi_reduction <add>, %slice3A_106, %reduce_sum3A_107 [1] : vector<1x16xf32> to vector<1xf32>
    %broadcast_in_dim3A_109 = vector.shape_cast %reduce_sum3A_108 : vector<1xf32> to vector<1x1xf32>
    %slice3A_110 = vector.extract_strided_slice %broadcast_in_dim3A {offsets = [0, 432], sizes = [1, 16], strides = [1, 1]} : vector<1x1280xf32> to vector<1x16xf32>
    %reduce_sum3A_111 = arith.constant dense<0.000000e+00> : vector<1xf32>
    %reduce_sum3A_112 = vector.multi_reduction <add>, %slice3A_110, %reduce_sum3A_111 [1] : vector<1x16xf32> to vector<1xf32>
    %broadcast_in_dim3A_113 = vector.shape_cast %reduce_sum3A_112 : vector<1xf32> to vector<1x1xf32>
    %slice3A_114 = vector.extract_strided_slice %broadcast_in_dim3A {offsets = [0, 448], sizes = [1, 16], strides = [1, 1]} : vector<1x1280xf32> to vector<1x16xf32>
    %reduce_sum3A_115 = arith.constant dense<0.000000e+00> : vector<1xf32>
    %reduce_sum3A_116 = vector.multi_reduction <add>, %slice3A_114, %reduce_sum3A_115 [1] : vector<1x16xf32> to vector<1xf32>
    %broadcast_in_dim3A_117 = vector.shape_cast %reduce_sum3A_116 : vector<1xf32> to vector<1x1xf32>
    %slice3A_118 = vector.extract_strided_slice %broadcast_in_dim3A {offsets = [0, 464], sizes = [1, 16], strides = [1, 1]} : vector<1x1280xf32> to vector<1x16xf32>
    %reduce_sum3A_119 = arith.constant dense<0.000000e+00> : vector<1xf32>
    %reduce_sum3A_120 = vector.multi_reduction <add>, %slice3A_118, %reduce_sum3A_119 [1] : vector<1x16xf32> to vector<1xf32>
    %broadcast_in_dim3A_121 = vector.shape_cast %reduce_sum3A_120 : vector<1xf32> to vector<1x1xf32>
    %slice3A_122 = vector.extract_strided_slice %broadcast_in_dim3A {offsets = [0, 480], sizes = [1, 16], strides = [1, 1]} : vector<1x1280xf32> to vector<1x16xf32>
    %reduce_sum3A_123 = arith.constant dense<0.000000e+00> : vector<1xf32>
    %reduce_sum3A_124 = vector.multi_reduction <add>, %slice3A_122, %reduce_sum3A_123 [1] : vector<1x16xf32> to vector<1xf32>
    %broadcast_in_dim3A_125 = vector.shape_cast %reduce_sum3A_124 : vector<1xf32> to vector<1x1xf32>
    %slice3A_126 = vector.extract_strided_slice %broadcast_in_dim3A {offsets = [0, 496], sizes = [1, 16], strides = [1, 1]} : vector<1x1280xf32> to vector<1x16xf32>
    %reduce_sum3A_127 = arith.constant dense<0.000000e+00> : vector<1xf32>
    %reduce_sum3A_128 = vector.multi_reduction <add>, %slice3A_126, %reduce_sum3A_127 [1] : vector<1x16xf32> to vector<1xf32>
    %broadcast_in_dim3A_129 = vector.shape_cast %reduce_sum3A_128 : vector<1xf32> to vector<1x1xf32>
    %concatenate3A_130 = tpu.concatenate %broadcast_in_dim3A_69, %broadcast_in_dim3A_73, %broadcast_in_dim3A_77, %broadcast_in_dim3A_81, %broadcast_in_dim3A_85, %broadcast_in_dim3A_89, %broadcast_in_dim3A_93, %broadcast_in_dim3A_97, %broadcast_in_dim3A_101, %broadcast_in_dim3A_105, %broadcast_in_dim3A_109, %broadcast_in_dim3A_113, %broadcast_in_dim3A_117, %broadcast_in_dim3A_121, %broadcast_in_dim3A_125, %broadcast_in_dim3A_129 in 1 : vector<1x1xf32>, vector<1x1xf32>, vector<1x1xf32>, vector<1x1xf32>, vector<1x1xf32>, vector<1x1xf32>, vector<1x1xf32>, vector<1x1xf32>, vector<1x1xf32>, vector<1x1xf32>, vector<1x1xf32>, vector<1x1xf32>, vector<1x1xf32>, vector<1x1xf32>, vector<1x1xf32>, vector<1x1xf32> -> vector<1x16xf32>
    %slice3A_131 = vector.extract_strided_slice %broadcast_in_dim3A {offsets = [0, 512], sizes = [1, 16], strides = [1, 1]} : vector<1x1280xf32> to vector<1x16xf32>
    %reduce_sum3A_132 = arith.constant dense<0.000000e+00> : vector<1xf32>
    %reduce_sum3A_133 = vector.multi_reduction <add>, %slice3A_131, %reduce_sum3A_132 [1] : vector<1x16xf32> to vector<1xf32>
    %broadcast_in_dim3A_134 = vector.shape_cast %reduce_sum3A_133 : vector<1xf32> to vector<1x1xf32>
    %slice3A_135 = vector.extract_strided_slice %broadcast_in_dim3A {offsets = [0, 528], sizes = [1, 16], strides = [1, 1]} : vector<1x1280xf32> to vector<1x16xf32>
    %reduce_sum3A_136 = arith.constant dense<0.000000e+00> : vector<1xf32>
    %reduce_sum3A_137 = vector.multi_reduction <add>, %slice3A_135, %reduce_sum3A_136 [1] : vector<1x16xf32> to vector<1xf32>
    %broadcast_in_dim3A_138 = vector.shape_cast %reduce_sum3A_137 : vector<1xf32> to vector<1x1xf32>
    %slice3A_139 = vector.extract_strided_slice %broadcast_in_dim3A {offsets = [0, 544], sizes = [1, 16], strides = [1, 1]} : vector<1x1280xf32> to vector<1x16xf32>
    %reduce_sum3A_140 = arith.constant dense<0.000000e+00> : vector<1xf32>
    %reduce_sum3A_141 = vector.multi_reduction <add>, %slice3A_139, %reduce_sum3A_140 [1] : vector<1x16xf32> to vector<1xf32>
    %broadcast_in_dim3A_142 = vector.shape_cast %reduce_sum3A_141 : vector<1xf32> to vector<1x1xf32>
    %slice3A_143 = vector.extract_strided_slice %broadcast_in_dim3A {offsets = [0, 560], sizes = [1, 16], strides = [1, 1]} : vector<1x1280xf32> to vector<1x16xf32>
    %reduce_sum3A_144 = arith.constant dense<0.000000e+00> : vector<1xf32>
    %reduce_sum3A_145 = vector.multi_reduction <add>, %slice3A_143, %reduce_sum3A_144 [1] : vector<1x16xf32> to vector<1xf32>
    %broadcast_in_dim3A_146 = vector.shape_cast %reduce_sum3A_145 : vector<1xf32> to vector<1x1xf32>
    %slice3A_147 = vector.extract_strided_slice %broadcast_in_dim3A {offsets = [0, 576], sizes = [1, 16], strides = [1, 1]} : vector<1x1280xf32> to vector<1x16xf32>
    %reduce_sum3A_148 = arith.constant dense<0.000000e+00> : vector<1xf32>
    %reduce_sum3A_149 = vector.multi_reduction <add>, %slice3A_147, %reduce_sum3A_148 [1] : vector<1x16xf32> to vector<1xf32>
    %broadcast_in_dim3A_150 = vector.shape_cast %reduce_sum3A_149 : vector<1xf32> to vector<1x1xf32>
    %slice3A_151 = vector.extract_strided_slice %broadcast_in_dim3A {offsets = [0, 592], sizes = [1, 16], strides = [1, 1]} : vector<1x1280xf32> to vector<1x16xf32>
    %reduce_sum3A_152 = arith.constant dense<0.000000e+00> : vector<1xf32>
    %reduce_sum3A_153 = vector.multi_reduction <add>, %slice3A_151, %reduce_sum3A_152 [1] : vector<1x16xf32> to vector<1xf32>
    %broadcast_in_dim3A_154 = vector.shape_cast %reduce_sum3A_153 : vector<1xf32> to vector<1x1xf32>
    %slice3A_155 = vector.extract_strided_slice %broadcast_in_dim3A {offsets = [0, 608], sizes = [1, 16], strides = [1, 1]} : vector<1x1280xf32> to vector<1x16xf32>
    %reduce_sum3A_156 = arith.constant dense<0.000000e+00> : vector<1xf32>
    %reduce_sum3A_157 = vector.multi_reduction <add>, %slice3A_155, %reduce_sum3A_156 [1] : vector<1x16xf32> to vector<1xf32>
    %broadcast_in_dim3A_158 = vector.shape_cast %reduce_sum3A_157 : vector<1xf32> to vector<1x1xf32>
    %slice3A_159 = vector.extract_strided_slice %broadcast_in_dim3A {offsets = [0, 624], sizes = [1, 16], strides = [1, 1]} : vector<1x1280xf32> to vector<1x16xf32>
    %reduce_sum3A_160 = arith.constant dense<0.000000e+00> : vector<1xf32>
    %reduce_sum3A_161 = vector.multi_reduction <add>, %slice3A_159, %reduce_sum3A_160 [1] : vector<1x16xf32> to vector<1xf32>
    %broadcast_in_dim3A_162 = vector.shape_cast %reduce_sum3A_161 : vector<1xf32> to vector<1x1xf32>
    %slice3A_163 = vector.extract_strided_slice %broadcast_in_dim3A {offsets = [0, 640], sizes = [1, 16], strides = [1, 1]} : vector<1x1280xf32> to vector<1x16xf32>
    %reduce_sum3A_164 = arith.constant dense<0.000000e+00> : vector<1xf32>
    %reduce_sum3A_165 = vector.multi_reduction <add>, %slice3A_163, %reduce_sum3A_164 [1] : vector<1x16xf32> to vector<1xf32>
    %broadcast_in_dim3A_166 = vector.shape_cast %reduce_sum3A_165 : vector<1xf32> to vector<1x1xf32>
    %slice3A_167 = vector.extract_strided_slice %broadcast_in_dim3A {offsets = [0, 656], sizes = [1, 16], strides = [1, 1]} : vector<1x1280xf32> to vector<1x16xf32>
    %reduce_sum3A_168 = arith.constant dense<0.000000e+00> : vector<1xf32>
    %reduce_sum3A_169 = vector.multi_reduction <add>, %slice3A_167, %reduce_sum3A_168 [1] : vector<1x16xf32> to vector<1xf32>
    %broadcast_in_dim3A_170 = vector.shape_cast %reduce_sum3A_169 : vector<1xf32> to vector<1x1xf32>
    %slice3A_171 = vector.extract_strided_slice %broadcast_in_dim3A {offsets = [0, 672], sizes = [1, 16], strides = [1, 1]} : vector<1x1280xf32> to vector<1x16xf32>
    %reduce_sum3A_172 = arith.constant dense<0.000000e+00> : vector<1xf32>
    %reduce_sum3A_173 = vector.multi_reduction <add>, %slice3A_171, %reduce_sum3A_172 [1] : vector<1x16xf32> to vector<1xf32>
    %broadcast_in_dim3A_174 = vector.shape_cast %reduce_sum3A_173 : vector<1xf32> to vector<1x1xf32>
    %slice3A_175 = vector.extract_strided_slice %broadcast_in_dim3A {offsets = [0, 688], sizes = [1, 16], strides = [1, 1]} : vector<1x1280xf32> to vector<1x16xf32>
    %reduce_sum3A_176 = arith.constant dense<0.000000e+00> : vector<1xf32>
    %reduce_sum3A_177 = vector.multi_reduction <add>, %slice3A_175, %reduce_sum3A_176 [1] : vector<1x16xf32> to vector<1xf32>
    %broadcast_in_dim3A_178 = vector.shape_cast %reduce_sum3A_177 : vector<1xf32> to vector<1x1xf32>
    %slice3A_179 = vector.extract_strided_slice %broadcast_in_dim3A {offsets = [0, 704], sizes = [1, 16], strides = [1, 1]} : vector<1x1280xf32> to vector<1x16xf32>
    %reduce_sum3A_180 = arith.constant dense<0.000000e+00> : vector<1xf32>
    %reduce_sum3A_181 = vector.multi_reduction <add>, %slice3A_179, %reduce_sum3A_180 [1] : vector<1x16xf32> to vector<1xf32>
    %broadcast_in_dim3A_182 = vector.shape_cast %reduce_sum3A_181 : vector<1xf32> to vector<1x1xf32>
    %slice3A_183 = vector.extract_strided_slice %broadcast_in_dim3A {offsets = [0, 720], sizes = [1, 16], strides = [1, 1]} : vector<1x1280xf32> to vector<1x16xf32>
    %reduce_sum3A_184 = arith.constant dense<0.000000e+00> : vector<1xf32>
    %reduce_sum3A_185 = vector.multi_reduction <add>, %slice3A_183, %reduce_sum3A_184 [1] : vector<1x16xf32> to vector<1xf32>
    %broadcast_in_dim3A_186 = vector.shape_cast %reduce_sum3A_185 : vector<1xf32> to vector<1x1xf32>
    %slice3A_187 = vector.extract_strided_slice %broadcast_in_dim3A {offsets = [0, 736], sizes = [1, 16], strides = [1, 1]} : vector<1x1280xf32> to vector<1x16xf32>
    %reduce_sum3A_188 = arith.constant dense<0.000000e+00> : vector<1xf32>
    %reduce_sum3A_189 = vector.multi_reduction <add>, %slice3A_187, %reduce_sum3A_188 [1] : vector<1x16xf32> to vector<1xf32>
    %broadcast_in_dim3A_190 = vector.shape_cast %reduce_sum3A_189 : vector<1xf32> to vector<1x1xf32>
    %slice3A_191 = vector.extract_strided_slice %broadcast_in_dim3A {offsets = [0, 752], sizes = [1, 16], strides = [1, 1]} : vector<1x1280xf32> to vector<1x16xf32>
    %reduce_sum3A_192 = arith.constant dense<0.000000e+00> : vector<1xf32>
    %reduce_sum3A_193 = vector.multi_reduction <add>, %slice3A_191, %reduce_sum3A_192 [1] : vector<1x16xf32> to vector<1xf32>
    %broadcast_in_dim3A_194 = vector.shape_cast %reduce_sum3A_193 : vector<1xf32> to vector<1x1xf32>
    %concatenate3A_195 = tpu.concatenate %broadcast_in_dim3A_134, %broadcast_in_dim3A_138, %broadcast_in_dim3A_142, %broadcast_in_dim3A_146, %broadcast_in_dim3A_150, %broadcast_in_dim3A_154, %broadcast_in_dim3A_158, %broadcast_in_dim3A_162, %broadcast_in_dim3A_166, %broadcast_in_dim3A_170, %broadcast_in_dim3A_174, %broadcast_in_dim3A_178, %broadcast_in_dim3A_182, %broadcast_in_dim3A_186, %broadcast_in_dim3A_190, %broadcast_in_dim3A_194 in 1 : vector<1x1xf32>, vector<1x1xf32>, vector<1x1xf32>, vector<1x1xf32>, vector<1x1xf32>, vector<1x1xf32>, vector<1x1xf32>, vector<1x1xf32>, vector<1x1xf32>, vector<1x1xf32>, vector<1x1xf32>, vector<1x1xf32>, vector<1x1xf32>, vector<1x1xf32>, vector<1x1xf32>, vector<1x1xf32> -> vector<1x16xf32>
    %slice3A_196 = vector.extract_strided_slice %broadcast_in_dim3A {offsets = [0, 768], sizes = [1, 16], strides = [1, 1]} : vector<1x1280xf32> to vector<1x16xf32>
    %reduce_sum3A_197 = arith.constant dense<0.000000e+00> : vector<1xf32>
    %reduce_sum3A_198 = vector.multi_reduction <add>, %slice3A_196, %reduce_sum3A_197 [1] : vector<1x16xf32> to vector<1xf32>
    %broadcast_in_dim3A_199 = vector.shape_cast %reduce_sum3A_198 : vector<1xf32> to vector<1x1xf32>
    %slice3A_200 = vector.extract_strided_slice %broadcast_in_dim3A {offsets = [0, 784], sizes = [1, 16], strides = [1, 1]} : vector<1x1280xf32> to vector<1x16xf32>
    %reduce_sum3A_201 = arith.constant dense<0.000000e+00> : vector<1xf32>
    %reduce_sum3A_202 = vector.multi_reduction <add>, %slice3A_200, %reduce_sum3A_201 [1] : vector<1x16xf32> to vector<1xf32>
    %broadcast_in_dim3A_203 = vector.shape_cast %reduce_sum3A_202 : vector<1xf32> to vector<1x1xf32>
    %slice3A_204 = vector.extract_strided_slice %broadcast_in_dim3A {offsets = [0, 800], sizes = [1, 16], strides = [1, 1]} : vector<1x1280xf32> to vector<1x16xf32>
    %reduce_sum3A_205 = arith.constant dense<0.000000e+00> : vector<1xf32>
    %reduce_sum3A_206 = vector.multi_reduction <add>, %slice3A_204, %reduce_sum3A_205 [1] : vector<1x16xf32> to vector<1xf32>
    %broadcast_in_dim3A_207 = vector.shape_cast %reduce_sum3A_206 : vector<1xf32> to vector<1x1xf32>
    %slice3A_208 = vector.extract_strided_slice %broadcast_in_dim3A {offsets = [0, 816], sizes = [1, 16], strides = [1, 1]} : vector<1x1280xf32> to vector<1x16xf32>
    %reduce_sum3A_209 = arith.constant dense<0.000000e+00> : vector<1xf32>
    %reduce_sum3A_210 = vector.multi_reduction <add>, %slice3A_208, %reduce_sum3A_209 [1] : vector<1x16xf32> to vector<1xf32>
    %broadcast_in_dim3A_211 = vector.shape_cast %reduce_sum3A_210 : vector<1xf32> to vector<1x1xf32>
    %slice3A_212 = vector.extract_strided_slice %broadcast_in_dim3A {offsets = [0, 832], sizes = [1, 16], strides = [1, 1]} : vector<1x1280xf32> to vector<1x16xf32>
    %reduce_sum3A_213 = arith.constant dense<0.000000e+00> : vector<1xf32>
    %reduce_sum3A_214 = vector.multi_reduction <add>, %slice3A_212, %reduce_sum3A_213 [1] : vector<1x16xf32> to vector<1xf32>
    %broadcast_in_dim3A_215 = vector.shape_cast %reduce_sum3A_214 : vector<1xf32> to vector<1x1xf32>
    %slice3A_216 = vector.extract_strided_slice %broadcast_in_dim3A {offsets = [0, 848], sizes = [1, 16], strides = [1, 1]} : vector<1x1280xf32> to vector<1x16xf32>
    %reduce_sum3A_217 = arith.constant dense<0.000000e+00> : vector<1xf32>
    %reduce_sum3A_218 = vector.multi_reduction <add>, %slice3A_216, %reduce_sum3A_217 [1] : vector<1x16xf32> to vector<1xf32>
    %broadcast_in_dim3A_219 = vector.shape_cast %reduce_sum3A_218 : vector<1xf32> to vector<1x1xf32>
    %slice3A_220 = vector.extract_strided_slice %broadcast_in_dim3A {offsets = [0, 864], sizes = [1, 16], strides = [1, 1]} : vector<1x1280xf32> to vector<1x16xf32>
    %reduce_sum3A_221 = arith.constant dense<0.000000e+00> : vector<1xf32>
    %reduce_sum3A_222 = vector.multi_reduction <add>, %slice3A_220, %reduce_sum3A_221 [1] : vector<1x16xf32> to vector<1xf32>
    %broadcast_in_dim3A_223 = vector.shape_cast %reduce_sum3A_222 : vector<1xf32> to vector<1x1xf32>
    %slice3A_224 = vector.extract_strided_slice %broadcast_in_dim3A {offsets = [0, 880], sizes = [1, 16], strides = [1, 1]} : vector<1x1280xf32> to vector<1x16xf32>
    %reduce_sum3A_225 = arith.constant dense<0.000000e+00> : vector<1xf32>
    %reduce_sum3A_226 = vector.multi_reduction <add>, %slice3A_224, %reduce_sum3A_225 [1] : vector<1x16xf32> to vector<1xf32>
    %broadcast_in_dim3A_227 = vector.shape_cast %reduce_sum3A_226 : vector<1xf32> to vector<1x1xf32>
    %slice3A_228 = vector.extract_strided_slice %broadcast_in_dim3A {offsets = [0, 896], sizes = [1, 16], strides = [1, 1]} : vector<1x1280xf32> to vector<1x16xf32>
    %reduce_sum3A_229 = arith.constant dense<0.000000e+00> : vector<1xf32>
    %reduce_sum3A_230 = vector.multi_reduction <add>, %slice3A_228, %reduce_sum3A_229 [1] : vector<1x16xf32> to vector<1xf32>
    %broadcast_in_dim3A_231 = vector.shape_cast %reduce_sum3A_230 : vector<1xf32> to vector<1x1xf32>
    %slice3A_232 = vector.extract_strided_slice %broadcast_in_dim3A {offsets = [0, 912], sizes = [1, 16], strides = [1, 1]} : vector<1x1280xf32> to vector<1x16xf32>
    %reduce_sum3A_233 = arith.constant dense<0.000000e+00> : vector<1xf32>
    %reduce_sum3A_234 = vector.multi_reduction <add>, %slice3A_232, %reduce_sum3A_233 [1] : vector<1x16xf32> to vector<1xf32>
    %broadcast_in_dim3A_235 = vector.shape_cast %reduce_sum3A_234 : vector<1xf32> to vector<1x1xf32>
    %slice3A_236 = vector.extract_strided_slice %broadcast_in_dim3A {offsets = [0, 928], sizes = [1, 16], strides = [1, 1]} : vector<1x1280xf32> to vector<1x16xf32>
    %reduce_sum3A_237 = arith.constant dense<0.000000e+00> : vector<1xf32>
    %reduce_sum3A_238 = vector.multi_reduction <add>, %slice3A_236, %reduce_sum3A_237 [1] : vector<1x16xf32> to vector<1xf32>
    %broadcast_in_dim3A_239 = vector.shape_cast %reduce_sum3A_238 : vector<1xf32> to vector<1x1xf32>
    %slice3A_240 = vector.extract_strided_slice %broadcast_in_dim3A {offsets = [0, 944], sizes = [1, 16], strides = [1, 1]} : vector<1x1280xf32> to vector<1x16xf32>
    %reduce_sum3A_241 = arith.constant dense<0.000000e+00> : vector<1xf32>
    %reduce_sum3A_242 = vector.multi_reduction <add>, %slice3A_240, %reduce_sum3A_241 [1] : vector<1x16xf32> to vector<1xf32>
    %broadcast_in_dim3A_243 = vector.shape_cast %reduce_sum3A_242 : vector<1xf32> to vector<1x1xf32>
    %slice3A_244 = vector.extract_strided_slice %broadcast_in_dim3A {offsets = [0, 960], sizes = [1, 16], strides = [1, 1]} : vector<1x1280xf32> to vector<1x16xf32>
    %reduce_sum3A_245 = arith.constant dense<0.000000e+00> : vector<1xf32>
    %reduce_sum3A_246 = vector.multi_reduction <add>, %slice3A_244, %reduce_sum3A_245 [1] : vector<1x16xf32> to vector<1xf32>
    %broadcast_in_dim3A_247 = vector.shape_cast %reduce_sum3A_246 : vector<1xf32> to vector<1x1xf32>
    %slice3A_248 = vector.extract_strided_slice %broadcast_in_dim3A {offsets = [0, 976], sizes = [1, 16], strides = [1, 1]} : vector<1x1280xf32> to vector<1x16xf32>
    %reduce_sum3A_249 = arith.constant dense<0.000000e+00> : vector<1xf32>
    %reduce_sum3A_250 = vector.multi_reduction <add>, %slice3A_248, %reduce_sum3A_249 [1] : vector<1x16xf32> to vector<1xf32>
    %broadcast_in_dim3A_251 = vector.shape_cast %reduce_sum3A_250 : vector<1xf32> to vector<1x1xf32>
    %slice3A_252 = vector.extract_strided_slice %broadcast_in_dim3A {offsets = [0, 992], sizes = [1, 16], strides = [1, 1]} : vector<1x1280xf32> to vector<1x16xf32>
    %reduce_sum3A_253 = arith.constant dense<0.000000e+00> : vector<1xf32>
    %reduce_sum3A_254 = vector.multi_reduction <add>, %slice3A_252, %reduce_sum3A_253 [1] : vector<1x16xf32> to vector<1xf32>
    %broadcast_in_dim3A_255 = vector.shape_cast %reduce_sum3A_254 : vector<1xf32> to vector<1x1xf32>
    %slice3A_256 = vector.extract_strided_slice %broadcast_in_dim3A {offsets = [0, 1008], sizes = [1, 16], strides = [1, 1]} : vector<1x1280xf32> to vector<1x16xf32>
    %reduce_sum3A_257 = arith.constant dense<0.000000e+00> : vector<1xf32>
    %reduce_sum3A_258 = vector.multi_reduction <add>, %slice3A_256, %reduce_sum3A_257 [1] : vector<1x16xf32> to vector<1xf32>
    %broadcast_in_dim3A_259 = vector.shape_cast %reduce_sum3A_258 : vector<1xf32> to vector<1x1xf32>
    %concatenate3A_260 = tpu.concatenate %broadcast_in_dim3A_199, %broadcast_in_dim3A_203, %broadcast_in_dim3A_207, %broadcast_in_dim3A_211, %broadcast_in_dim3A_215, %broadcast_in_dim3A_219, %broadcast_in_dim3A_223, %broadcast_in_dim3A_227, %broadcast_in_dim3A_231, %broadcast_in_dim3A_235, %broadcast_in_dim3A_239, %broadcast_in_dim3A_243, %broadcast_in_dim3A_247, %broadcast_in_dim3A_251, %broadcast_in_dim3A_255, %broadcast_in_dim3A_259 in 1 : vector<1x1xf32>, vector<1x1xf32>, vector<1x1xf32>, vector<1x1xf32>, vector<1x1xf32>, vector<1x1xf32>, vector<1x1xf32>, vector<1x1xf32>, vector<1x1xf32>, vector<1x1xf32>, vector<1x1xf32>, vector<1x1xf32>, vector<1x1xf32>, vector<1x1xf32>, vector<1x1xf32>, vector<1x1xf32> -> vector<1x16xf32>
    %slice3A_261 = vector.extract_strided_slice %broadcast_in_dim3A {offsets = [0, 1024], sizes = [1, 16], strides = [1, 1]} : vector<1x1280xf32> to vector<1x16xf32>
    %reduce_sum3A_262 = arith.constant dense<0.000000e+00> : vector<1xf32>
    %reduce_sum3A_263 = vector.multi_reduction <add>, %slice3A_261, %reduce_sum3A_262 [1] : vector<1x16xf32> to vector<1xf32>
    %broadcast_in_dim3A_264 = vector.shape_cast %reduce_sum3A_263 : vector<1xf32> to vector<1x1xf32>
    %slice3A_265 = vector.extract_strided_slice %broadcast_in_dim3A {offsets = [0, 1040], sizes = [1, 16], strides = [1, 1]} : vector<1x1280xf32> to vector<1x16xf32>
    %reduce_sum3A_266 = arith.constant dense<0.000000e+00> : vector<1xf32>
    %reduce_sum3A_267 = vector.multi_reduction <add>, %slice3A_265, %reduce_sum3A_266 [1] : vector<1x16xf32> to vector<1xf32>
    %broadcast_in_dim3A_268 = vector.shape_cast %reduce_sum3A_267 : vector<1xf32> to vector<1x1xf32>
    %slice3A_269 = vector.extract_strided_slice %broadcast_in_dim3A {offsets = [0, 1056], sizes = [1, 16], strides = [1, 1]} : vector<1x1280xf32> to vector<1x16xf32>
    %reduce_sum3A_270 = arith.constant dense<0.000000e+00> : vector<1xf32>
    %reduce_sum3A_271 = vector.multi_reduction <add>, %slice3A_269, %reduce_sum3A_270 [1] : vector<1x16xf32> to vector<1xf32>
    %broadcast_in_dim3A_272 = vector.shape_cast %reduce_sum3A_271 : vector<1xf32> to vector<1x1xf32>
    %slice3A_273 = vector.extract_strided_slice %broadcast_in_dim3A {offsets = [0, 1072], sizes = [1, 16], strides = [1, 1]} : vector<1x1280xf32> to vector<1x16xf32>
    %reduce_sum3A_274 = arith.constant dense<0.000000e+00> : vector<1xf32>
    %reduce_sum3A_275 = vector.multi_reduction <add>, %slice3A_273, %reduce_sum3A_274 [1] : vector<1x16xf32> to vector<1xf32>
    %broadcast_in_dim3A_276 = vector.shape_cast %reduce_sum3A_275 : vector<1xf32> to vector<1x1xf32>
    %slice3A_277 = vector.extract_strided_slice %broadcast_in_dim3A {offsets = [0, 1088], sizes = [1, 16], strides = [1, 1]} : vector<1x1280xf32> to vector<1x16xf32>
    %reduce_sum3A_278 = arith.constant dense<0.000000e+00> : vector<1xf32>
    %reduce_sum3A_279 = vector.multi_reduction <add>, %slice3A_277, %reduce_sum3A_278 [1] : vector<1x16xf32> to vector<1xf32>
    %broadcast_in_dim3A_280 = vector.shape_cast %reduce_sum3A_279 : vector<1xf32> to vector<1x1xf32>
    %slice3A_281 = vector.extract_strided_slice %broadcast_in_dim3A {offsets = [0, 1104], sizes = [1, 16], strides = [1, 1]} : vector<1x1280xf32> to vector<1x16xf32>
    %reduce_sum3A_282 = arith.constant dense<0.000000e+00> : vector<1xf32>
    %reduce_sum3A_283 = vector.multi_reduction <add>, %slice3A_281, %reduce_sum3A_282 [1] : vector<1x16xf32> to vector<1xf32>
    %broadcast_in_dim3A_284 = vector.shape_cast %reduce_sum3A_283 : vector<1xf32> to vector<1x1xf32>
    %slice3A_285 = vector.extract_strided_slice %broadcast_in_dim3A {offsets = [0, 1120], sizes = [1, 16], strides = [1, 1]} : vector<1x1280xf32> to vector<1x16xf32>
    %reduce_sum3A_286 = arith.constant dense<0.000000e+00> : vector<1xf32>
    %reduce_sum3A_287 = vector.multi_reduction <add>, %slice3A_285, %reduce_sum3A_286 [1] : vector<1x16xf32> to vector<1xf32>
    %broadcast_in_dim3A_288 = vector.shape_cast %reduce_sum3A_287 : vector<1xf32> to vector<1x1xf32>
    %slice3A_289 = vector.extract_strided_slice %broadcast_in_dim3A {offsets = [0, 1136], sizes = [1, 16], strides = [1, 1]} : vector<1x1280xf32> to vector<1x16xf32>
    %reduce_sum3A_290 = arith.constant dense<0.000000e+00> : vector<1xf32>
    %reduce_sum3A_291 = vector.multi_reduction <add>, %slice3A_289, %reduce_sum3A_290 [1] : vector<1x16xf32> to vector<1xf32>
    %broadcast_in_dim3A_292 = vector.shape_cast %reduce_sum3A_291 : vector<1xf32> to vector<1x1xf32>
    %slice3A_293 = vector.extract_strided_slice %broadcast_in_dim3A {offsets = [0, 1152], sizes = [1, 16], strides = [1, 1]} : vector<1x1280xf32> to vector<1x16xf32>
    %reduce_sum3A_294 = arith.constant dense<0.000000e+00> : vector<1xf32>
    %reduce_sum3A_295 = vector.multi_reduction <add>, %slice3A_293, %reduce_sum3A_294 [1] : vector<1x16xf32> to vector<1xf32>
    %broadcast_in_dim3A_296 = vector.shape_cast %reduce_sum3A_295 : vector<1xf32> to vector<1x1xf32>
    %slice3A_297 = vector.extract_strided_slice %broadcast_in_dim3A {offsets = [0, 1168], sizes = [1, 16], strides = [1, 1]} : vector<1x1280xf32> to vector<1x16xf32>
    %reduce_sum3A_298 = arith.constant dense<0.000000e+00> : vector<1xf32>
    %reduce_sum3A_299 = vector.multi_reduction <add>, %slice3A_297, %reduce_sum3A_298 [1] : vector<1x16xf32> to vector<1xf32>
    %broadcast_in_dim3A_300 = vector.shape_cast %reduce_sum3A_299 : vector<1xf32> to vector<1x1xf32>
    %slice3A_301 = vector.extract_strided_slice %broadcast_in_dim3A {offsets = [0, 1184], sizes = [1, 16], strides = [1, 1]} : vector<1x1280xf32> to vector<1x16xf32>
    %reduce_sum3A_302 = arith.constant dense<0.000000e+00> : vector<1xf32>
    %reduce_sum3A_303 = vector.multi_reduction <add>, %slice3A_301, %reduce_sum3A_302 [1] : vector<1x16xf32> to vector<1xf32>
    %broadcast_in_dim3A_304 = vector.shape_cast %reduce_sum3A_303 : vector<1xf32> to vector<1x1xf32>
    %slice3A_305 = vector.extract_strided_slice %broadcast_in_dim3A {offsets = [0, 1200], sizes = [1, 16], strides = [1, 1]} : vector<1x1280xf32> to vector<1x16xf32>
    %reduce_sum3A_306 = arith.constant dense<0.000000e+00> : vector<1xf32>
    %reduce_sum3A_307 = vector.multi_reduction <add>, %slice3A_305, %reduce_sum3A_306 [1] : vector<1x16xf32> to vector<1xf32>
    %broadcast_in_dim3A_308 = vector.shape_cast %reduce_sum3A_307 : vector<1xf32> to vector<1x1xf32>
    %slice3A_309 = vector.extract_strided_slice %broadcast_in_dim3A {offsets = [0, 1216], sizes = [1, 16], strides = [1, 1]} : vector<1x1280xf32> to vector<1x16xf32>
    %reduce_sum3A_310 = arith.constant dense<0.000000e+00> : vector<1xf32>
    %reduce_sum3A_311 = vector.multi_reduction <add>, %slice3A_309, %reduce_sum3A_310 [1] : vector<1x16xf32> to vector<1xf32>
    %broadcast_in_dim3A_312 = vector.shape_cast %reduce_sum3A_311 : vector<1xf32> to vector<1x1xf32>
    %slice3A_313 = vector.extract_strided_slice %broadcast_in_dim3A {offsets = [0, 1232], sizes = [1, 16], strides = [1, 1]} : vector<1x1280xf32> to vector<1x16xf32>
    %reduce_sum3A_314 = arith.constant dense<0.000000e+00> : vector<1xf32>
    %reduce_sum3A_315 = vector.multi_reduction <add>, %slice3A_313, %reduce_sum3A_314 [1] : vector<1x16xf32> to vector<1xf32>
    %broadcast_in_dim3A_316 = vector.shape_cast %reduce_sum3A_315 : vector<1xf32> to vector<1x1xf32>
    %slice3A_317 = vector.extract_strided_slice %broadcast_in_dim3A {offsets = [0, 1248], sizes = [1, 16], strides = [1, 1]} : vector<1x1280xf32> to vector<1x16xf32>
    %reduce_sum3A_318 = arith.constant dense<0.000000e+00> : vector<1xf32>
    %reduce_sum3A_319 = vector.multi_reduction <add>, %slice3A_317, %reduce_sum3A_318 [1] : vector<1x16xf32> to vector<1xf32>
    %broadcast_in_dim3A_320 = vector.shape_cast %reduce_sum3A_319 : vector<1xf32> to vector<1x1xf32>
    %slice3A_321 = vector.extract_strided_slice %broadcast_in_dim3A {offsets = [0, 1264], sizes = [1, 16], strides = [1, 1]} : vector<1x1280xf32> to vector<1x16xf32>
    %reduce_sum3A_322 = arith.constant dense<0.000000e+00> : vector<1xf32>
    %reduce_sum3A_323 = vector.multi_reduction <add>, %slice3A_321, %reduce_sum3A_322 [1] : vector<1x16xf32> to vector<1xf32>
    %broadcast_in_dim3A_324 = vector.shape_cast %reduce_sum3A_323 : vector<1xf32> to vector<1x1xf32>
    %concatenate3A_325 = tpu.concatenate %broadcast_in_dim3A_264, %broadcast_in_dim3A_268, %broadcast_in_dim3A_272, %broadcast_in_dim3A_276, %broadcast_in_dim3A_280, %broadcast_in_dim3A_284, %broadcast_in_dim3A_288, %broadcast_in_dim3A_292, %broadcast_in_dim3A_296, %broadcast_in_dim3A_300, %broadcast_in_dim3A_304, %broadcast_in_dim3A_308, %broadcast_in_dim3A_312, %broadcast_in_dim3A_316, %broadcast_in_dim3A_320, %broadcast_in_dim3A_324 in 1 : vector<1x1xf32>, vector<1x1xf32>, vector<1x1xf32>, vector<1x1xf32>, vector<1x1xf32>, vector<1x1xf32>, vector<1x1xf32>, vector<1x1xf32>, vector<1x1xf32>, vector<1x1xf32>, vector<1x1xf32>, vector<1x1xf32>, vector<1x1xf32>, vector<1x1xf32>, vector<1x1xf32>, vector<1x1xf32> -> vector<1x16xf32>
    %concatenate3A_326 = tpu.concatenate %concatenate3A, %concatenate3A_130, %concatenate3A_195, %concatenate3A_260, %concatenate3A_325 in 0 : vector<1x16xf32>, vector<1x16xf32>, vector<1x16xf32>, vector<1x16xf32>, vector<1x16xf32> -> vector<5x16xf32>
    %get3A_327 = arith.constant 0 : index
    %get3A_328 = arith.constant 0 : index
    %get3A_329 = vector.load %arg2[%get3A_327, %get3A_328] : memref<5x4xf32, #tpu.memory_space<vmem>>, vector<5x4xf32>
    %transpose3A = tpu.transpose %get3A_329, [1, 0] : vector<5x4xf32> -> vector<4x5xf32>
    %slice3A_330 = vector.extract_strided_slice %transpose3A {offsets = [0, 4], sizes = [4, 1], strides = [1, 1]} : vector<4x5xf32> to vector<4x1xf32>
    %reduce_max3A = arith.constant dense<0xFF800000> : vector<1xf32>
    %reduce_max3A_331 = vector.multi_reduction <maximumf>, %slice3A_330, %reduce_max3A [0] : vector<4x1xf32> to vector<1xf32>
    %broadcast_in_dim3A_332 = vector.shape_cast %reduce_max3A_331 : vector<1xf32> to vector<1x1xf32>
    %sub3A = vector.broadcast %broadcast_in_dim3A_332 : vector<1x1xf32> to vector<4x1xf32>
    %sub3A_333 = arith.subf %slice3A_330, %sub3A : vector<4x1xf32>
    %exp3A = math.exp %sub3A_333 : vector<4x1xf32>
    %reduce_sum3A_334 = arith.constant dense<0.000000e+00> : vector<1xf32>
    %reduce_sum3A_335 = vector.multi_reduction <add>, %exp3A, %reduce_sum3A_334 [0] : vector<4x1xf32> to vector<1xf32>
    %broadcast_in_dim3A_336 = vector.shape_cast %reduce_sum3A_335 : vector<1xf32> to vector<1x1xf32>
    %log3A = math.log %broadcast_in_dim3A_336 : vector<1x1xf32>
    %add3A = arith.addf %broadcast_in_dim3A_332, %log3A : vector<1x1xf32>
    %sub3A_337 = vector.broadcast %add3A : vector<1x1xf32> to vector<4x1xf32>
    %sub3A_338 = arith.subf %slice3A_330, %sub3A_337 : vector<4x1xf32>
    %slice3A_339 = vector.extract_strided_slice %concatenate3A_326 {offsets = [1, 0], sizes = [4, 16], strides = [1, 1]} : vector<5x16xf32> to vector<4x16xf32>
    %add3A_340 = vector.broadcast %sub3A_338 : vector<4x1xf32> to vector<4x16xf32>
    %add3A_341 = arith.addf %slice3A_339, %add3A_340 : vector<4x16xf32>
    %slice3A_342 = vector.extract_strided_slice %concatenate3A_326 {offsets = [0, 0], sizes = [1, 16], strides = [1, 1]} : vector<5x16xf32> to vector<1x16xf32>
    %concatenate3A_343 = tpu.concatenate %slice3A_342, %add3A_341 in 0 : vector<1x16xf32>, vector<4x16xf32> -> vector<5x16xf32>
    %swap3A = arith.constant 0 : index
    %swap3A_344 = arith.constant 0 : index
    %swap3A_345 = vector.load %arg4[%swap3A, %swap3A_344] : memref<5x16xf32, #tpu.memory_space<vmem>>, vector<5x16xf32>
    tpu.vector_store %arg4[%swap3A, %swap3A_344], %concatenate3A_343 {strides = array<i32>} : memref<5x16xf32, #tpu.memory_space<vmem>>, vector<5x16xf32>,
    %reduce_max3A_346 = arith.constant dense<0xFF800000> : vector<16xf32>
    %reduce_max3A_347 = vector.multi_reduction <maximumf>, %add3A_341, %reduce_max3A_346 [0] : vector<4x16xf32> to vector<16xf32>
    %broadcast_in_dim3A_348 = vector.shape_cast %reduce_max3A_347 : vector<16xf32> to vector<1x16xf32>
    %sub3A_349 = vector.broadcast %broadcast_in_dim3A_348 : vector<1x16xf32> to vector<4x16xf32>
    %sub3A_350 = arith.subf %add3A_341, %sub3A_349 : vector<4x16xf32>
    %exp3A_351 = math.exp %sub3A_350 : vector<4x16xf32>
    %reduce_sum3A_352 = arith.constant dense<0.000000e+00> : vector<16xf32>
    %reduce_sum3A_353 = vector.multi_reduction <add>, %exp3A_351, %reduce_sum3A_352 [0] : vector<4x16xf32> to vector<16xf32>
    %broadcast_in_dim3A_354 = vector.shape_cast %reduce_sum3A_353 : vector<16xf32> to vector<1x16xf32>
    %log3A_355 = math.log %broadcast_in_dim3A_354 : vector<1x16xf32>
    %add3A_356 = arith.addf %broadcast_in_dim3A_348, %log3A_355 : vector<1x16xf32>
    %slice3A_357 = vector.extract_strided_slice %concatenate3A_326 {offsets = [0, 0], sizes = [1, 16], strides = [1, 1]} : vector<5x16xf32> to vector<1x16xf32>
    %sub3A_358 = arith.subf %add3A_356, %slice3A_357 : vector<1x16xf32>
    %swap3A_359 = arith.constant 0 : index
    %swap3A_360 = arith.constant 0 : index
    %swap3A_361 = vector.load %arg3[%swap3A_359, %swap3A_360] : memref<1x16xf32, #tpu.memory_space<vmem>>, vector<1x16xf32>
    tpu.vector_store %arg3[%swap3A_359, %swap3A_360], %sub3A_358 {strides = array<i32>} : memref<1x16xf32, #tpu.memory_space<vmem>>, vector<1x16xf32>,
    return
  }
  func.func @transform_0(%arg0: i32) -> (i32, i32) {
    %c0_i32 = arith.constant 0 : i32
    %c0_i32_0 = arith.constant 0 : i32
    %c0_i32_1 = arith.constant 0 : i32
    return %c0_i32, %c0_i32_0 : i32, i32
  }
  func.func @transform_1(%arg0: i32) -> (i32, i32) {
    %c0_i32 = arith.constant 0 : i32
    %c0_i32_0 = arith.constant 0 : i32
    %c0_i32_1 = arith.constant 0 : i32
    return %c0_i32, %c0_i32_0 : i32, i32
  }
  func.func @transform_2(%arg0: i32) -> (i32, i32) {
    %c0_i32 = arith.constant 0 : i32
    %c0_i32_0 = arith.constant 0 : i32
    %c0_i32_1 = arith.constant 0 : i32
    return %c0_i32, %c0_i32_0 : i32, i32
  }
  func.func @transform_3(%arg0: i32) -> (i32, i32) {
    %c0_i32 = arith.constant 0 : i32
    %c0_i32_0 = arith.constant 0 : i32
    %c0_i32_1 = arith.constant 0 : i32
    return %c0_i32, %c0_i32_0 : i32, i32
  }
}

module attributes {stable_mosaic.version = 14 : i64} {
  func.func @_dense_body(%arg0: i32, %arg1: memref<64x8192xf32, #tpu.memory_space<vmem>>, %arg2: memref<1x64xf32, #tpu.memory_space<vmem>>, %arg3: memref<1x1xf32, #tpu.memory_space<vmem>>, %arg4: memref<4x64xf32, #tpu.memory_space<vmem>>, %arg5: memref<5x4xf32, #tpu.memory_space<vmem>>, %arg6: memref<8x8192xf32, #tpu.memory_space<vmem>>) attributes {dimension_semantics = [#tpu.dimension_semantics<arbitrary>], iteration_bounds = array<i64: 4>, scalar_prefetch = 0 : i64, scratch_operands = 0 : i64, tpu.core_type = #tpu.core_type<tc>, window_params = [{transform_indices = @transform_0, window_bounds = array<i64: 64, 8192>}, {pipeline_mode = #tpu.pipeline_mode<synchronous>, transform_indices = @transform_1, window_bounds = array<i64: 1, 64>}, {pipeline_mode = #tpu.pipeline_mode<synchronous>, transform_indices = @transform_2, window_bounds = array<i64: 1, 1>}, {pipeline_mode = #tpu.pipeline_mode<synchronous>, transform_indices = @transform_3, window_bounds = array<i64: 4, 64>}, {pipeline_mode = #tpu.pipeline_mode<synchronous>, transform_indices = @transform_4, window_bounds = array<i64: 5, 4>}, {transform_indices = @transform_5, window_bounds = array<i64: 8, 8192>}]} {
    %get3A = arith.constant 0 : index
    %get3A_0 = arith.constant 0 : index
    %get3A_1 = vector.load %arg1[%get3A, %get3A_0] : memref<64x8192xf32, #tpu.memory_space<vmem>>, vector<64x8192xf32>
    %get3A_2 = arith.constant 0 : index
    %get3A_3 = arith.constant 0 : index
    %get3A_4 = vector.load %arg2[%get3A_2, %get3A_3] : memref<1x64xf32, #tpu.memory_space<vmem>>, vector<1x64xf32>
    %get3A_5 = arith.constant 0 : index
    %get3A_6 = arith.constant 0 : index
    %get3A_7 = vector.load %arg4[%get3A_5, %get3A_6] : memref<4x64xf32, #tpu.memory_space<vmem>>, vector<4x64xf32>
    %mul3A = arith.mulf %get3A_7, %get3A_7 : vector<4x64xf32>
    %reduce_sum3A = arith.constant dense<0.000000e+00> : vector<4xf32>
    %reduce_sum3A_8 = vector.multi_reduction <add>, %mul3A, %reduce_sum3A [1] : vector<4x64xf32> to vector<4xf32>
    %broadcast_in_dim3A = vector.shape_cast %reduce_sum3A_8 : vector<4xf32> to vector<4x1xf32>
    %rsqrt3A = math.rsqrt %broadcast_in_dim3A : vector<4x1xf32>
    %mul3A_9 = vector.broadcast %rsqrt3A : vector<4x1xf32> to vector<4x64xf32>
    %mul3A_10 = arith.mulf %get3A_7, %mul3A_9 : vector<4x64xf32>
    %convert_element_type3A = arith.truncf %get3A_1 : vector<64x8192xf32> to vector<64x8192xbf16>
    %concatenate3A = tpu.concatenate %mul3A_10, %get3A_4 in 0 : vector<4x64xf32>, vector<1x64xf32> -> vector<5x64xf32>
    %convert_element_type3A_11 = arith.truncf %concatenate3A : vector<5x64xf32> to vector<5x64xbf16>
    %mul3A_12 = vector.broadcast %get3A_4 : vector<1x64xf32> to vector<4x64xf32>
    %mul3A_13 = arith.mulf %mul3A_10, %mul3A_12 : vector<4x64xf32>
    %reduce_sum3A_14 = arith.constant dense<0.000000e+00> : vector<4xf32>
    %reduce_sum3A_15 = vector.multi_reduction <add>, %mul3A_13, %reduce_sum3A_14 [1] : vector<4x64xf32> to vector<4xf32>
    %broadcast_in_dim3A_16 = vector.shape_cast %reduce_sum3A_15 : vector<4xf32> to vector<4x1xf32>
    %mul3A_17 = arith.mulf %get3A_4, %get3A_4 : vector<1x64xf32>
    %reduce_sum3A_18 = arith.constant dense<0.000000e+00> : vector<1xf32>
    %reduce_sum3A_19 = vector.multi_reduction <add>, %mul3A_17, %reduce_sum3A_18 [1] : vector<1x64xf32> to vector<1xf32>
    %broadcast_in_dim3A_20 = vector.shape_cast %reduce_sum3A_19 : vector<1xf32> to vector<1x1xf32>
    %get3A_21 = arith.constant 0 : index
    %get3A_22 = arith.constant 0 : index
    %get3A_23 = vector.load %arg3[%get3A_21, %get3A_22] : memref<1x1xf32, #tpu.memory_space<vmem>>, vector<1x1xf32>
    %get3A_24 = vector.extract %get3A_23[0, 0] : f32 from vector<1x1xf32>
    %get3A_25 = arith.constant 0 : index
    %get3A_26 = arith.constant 0 : index
    %get3A_27 = vector.load %arg5[%get3A_25, %get3A_26] : memref<5x4xf32, #tpu.memory_space<vmem>>, vector<5x4xf32>
    %transpose3A = tpu.transpose %get3A_27, [1, 0] : vector<5x4xf32> -> vector<4x5xf32>
    %slice3A = vector.extract_strided_slice %transpose3A {offsets = [0, 0], sizes = [4, 1], strides = [1, 1]} : vector<4x5xf32> to vector<4x1xf32>
    %slice3A_28 = vector.extract_strided_slice %transpose3A {offsets = [0, 1], sizes = [4, 1], strides = [1, 1]} : vector<4x5xf32> to vector<4x1xf32>
    %slice3A_29 = vector.extract_strided_slice %transpose3A {offsets = [0, 2], sizes = [4, 1], strides = [1, 1]} : vector<4x5xf32> to vector<4x1xf32>
    %slice3A_30 = vector.extract_strided_slice %transpose3A {offsets = [0, 3], sizes = [4, 1], strides = [1, 1]} : vector<4x5xf32> to vector<4x1xf32>
    %mul3A_31 = arith.constant 2.000000e+00 : f32
    %mul3A_32 = vector.broadcast %mul3A_31 : f32 to vector<4x1xf32>
    %mul3A_33 = arith.mulf %mul3A_32, %slice3A_28 : vector<4x1xf32>
    %exp3A = math.exp %mul3A_33 : vector<4x1xf32>
    %exp3A_34 = math.exp %slice3A_29 : vector<4x1xf32>
    %mul3A_35 = arith.mulf %exp3A_34, %exp3A : vector<4x1xf32>
    %add3A = arith.addf %slice3A, %mul3A_35 : vector<4x1xf32>
    %neg3A = arith.constant 0.000000e+00 : f32
    %neg3A_36 = vector.broadcast %neg3A : f32 to vector<4x1xf32>
    %neg3A_37 = arith.subf %neg3A_36, %slice3A_28 : vector<4x1xf32>
    %exp3A_38 = math.exp %neg3A_37 : vector<4x1xf32>
    %sqrt3A = arith.constant 2.000000e+00 : f32
    %sqrt3A_39 = math.sqrt %sqrt3A : f32
    %div3A = arith.constant 1.000000e+00 : f32
    %div3A_40 = arith.divf %div3A, %sqrt3A_39 : f32
    %mul3A_41 = vector.broadcast %div3A_40 : f32 to vector<4x1xf32>
    %mul3A_42 = arith.mulf %exp3A_38, %mul3A_41 : vector<4x1xf32>
    %mul3A_43 = arith.constant -2.000000e+00 : f32
    %mul3A_44 = vector.broadcast %mul3A_43 : f32 to vector<4x1xf32>
    %mul3A_45 = arith.mulf %mul3A_44, %slice3A_30 : vector<4x1xf32>
    %exp3A_46 = math.exp %mul3A_45 : vector<4x1xf32>
    %mul3A_47 = arith.constant 5.000000e-01 : f32
    %mul3A_48 = vector.broadcast %mul3A_47 : f32 to vector<4x1xf32>
    %mul3A_49 = arith.mulf %mul3A_48, %exp3A_46 : vector<4x1xf32>
    %sub3A = arith.constant 0.693147182 : f32
    %sub3A_50 = vector.broadcast %sub3A : f32 to vector<4x1xf32>
    %sub3A_51 = arith.subf %slice3A_29, %sub3A_50 : vector<4x1xf32>
    %mul3A_52 = arith.constant 6.300000e+01 : f32
    %mul3A_53 = vector.broadcast %mul3A_52 : f32 to vector<4x1xf32>
    %mul3A_54 = arith.mulf %mul3A_53, %slice3A_30 : vector<4x1xf32>
    %sub3A_55 = arith.subf %sub3A_51, %mul3A_54 : vector<4x1xf32>
    %mul3A_56 = arith.constant 5.000000e-01 : f32
    %mul3A_57 = vector.broadcast %mul3A_56 : f32 to vector<4x1xf32>
    %mul3A_58 = arith.mulf %mul3A_57, %exp3A_34 : vector<4x1xf32>
    %add3A_59 = arith.addf %slice3A, %add3A : vector<4x1xf32>
    %mul3A_60 = arith.mulf %mul3A_58, %add3A_59 : vector<4x1xf32>
    %add3A_61 = arith.addf %sub3A_55, %mul3A_60 : vector<4x1xf32>
    %concatenate3A_62 = tpu.concatenate %exp3A_34, %exp3A_34 in 0 : vector<4x1xf32>, vector<4x1xf32> -> vector<8x1xf32>
    %concatenate3A_63 = tpu.concatenate %add3A, %add3A in 0 : vector<4x1xf32>, vector<4x1xf32> -> vector<8x1xf32>
    %concatenate3A_64 = tpu.concatenate %mul3A_42, %mul3A_42 in 0 : vector<4x1xf32>, vector<4x1xf32> -> vector<8x1xf32>
    %concatenate3A_65 = tpu.concatenate %mul3A_49, %mul3A_49 in 0 : vector<4x1xf32>, vector<4x1xf32> -> vector<8x1xf32>
    %concatenate3A_66 = tpu.concatenate %add3A_61, %add3A_61 in 0 : vector<4x1xf32>, vector<4x1xf32> -> vector<8x1xf32>
    %slice3A_67 = vector.extract_strided_slice %convert_element_type3A {offsets = [0, 0], sizes = [64, 4096], strides = [1, 1]} : vector<64x8192xbf16> to vector<64x4096xbf16>
    %dot_general3A = arith.constant dense<0.000000e+00> : vector<5x4096xf32>
    %dot_general3A_68 = tpu.matmul %convert_element_type3A_11, %slice3A_67, %dot_general3A {dimension_numbers = #tpu.dot_dimension_numbers<[1], [0], [0], [1], [0, 0, 1, 1], [], []>, transpose_lhs_hint = false} : vector<5x64xbf16>, vector<64x4096xbf16>, vector<5x4096xf32> -> vector<5x4096xf32>
    %broadcast_in_dim3A_69 = arith.constant 1.000000e+00 : bf16
    %broadcast_in_dim3A_70 = vector.broadcast %broadcast_in_dim3A_69 : bf16 to vector<1x64xbf16>
    %mul3A_71 = arith.mulf %slice3A_67, %slice3A_67 : vector<64x4096xbf16>
    %dot_general3A_72 = arith.constant dense<0.000000e+00> : vector<1x4096xf32>
    %dot_general3A_73 = tpu.matmul %broadcast_in_dim3A_70, %mul3A_71, %dot_general3A_72 {dimension_numbers = #tpu.dot_dimension_numbers<[1], [0], [0], [1], [0, 0, 1, 1], [], []>, transpose_lhs_hint = false} : vector<1x64xbf16>, vector<64x4096xbf16>, vector<1x4096xf32> -> vector<1x4096xf32>
    %slice3A_74 = vector.extract_strided_slice %dot_general3A_68 {offsets = [4, 0], sizes = [1, 4096], strides = [1, 1]} : vector<5x4096xf32> to vector<1x4096xf32>
    %mul3A_75 = arith.constant 2.000000e+00 : f32
    %mul3A_76 = vector.broadcast %mul3A_75 : f32 to vector<1x4096xf32>
    %mul3A_77 = arith.mulf %mul3A_76, %slice3A_74 : vector<1x4096xf32>
    %sub3A_78 = arith.subf %dot_general3A_73, %mul3A_77 : vector<1x4096xf32>
    %add3A_79 = vector.broadcast %broadcast_in_dim3A_20 : vector<1x1xf32> to vector<1x4096xf32>
    %add3A_80 = arith.addf %sub3A_78, %add3A_79 : vector<1x4096xf32>
    %slice3A_81 = vector.extract_strided_slice %dot_general3A_68 {offsets = [0, 0], sizes = [4, 4096], strides = [1, 1]} : vector<5x4096xf32> to vector<4x4096xf32>
    %sub3A_82 = vector.broadcast %broadcast_in_dim3A_16 : vector<4x1xf32> to vector<4x4096xf32>
    %sub3A_83 = arith.subf %slice3A_81, %sub3A_82 : vector<4x4096xf32>
    %slice3A_84 = vector.extract_strided_slice %convert_element_type3A {offsets = [0, 4096], sizes = [64, 4096], strides = [1, 1]} : vector<64x8192xbf16> to vector<64x4096xbf16>
    %dot_general3A_85 = arith.constant dense<0.000000e+00> : vector<5x4096xf32>
    %dot_general3A_86 = tpu.matmul %convert_element_type3A_11, %slice3A_84, %dot_general3A_85 {dimension_numbers = #tpu.dot_dimension_numbers<[1], [0], [0], [1], [0, 0, 1, 1], [], []>, transpose_lhs_hint = false} : vector<5x64xbf16>, vector<64x4096xbf16>, vector<5x4096xf32> -> vector<5x4096xf32>
    %broadcast_in_dim3A_87 = arith.constant 1.000000e+00 : bf16
    %broadcast_in_dim3A_88 = vector.broadcast %broadcast_in_dim3A_87 : bf16 to vector<1x64xbf16>
    %mul3A_89 = arith.mulf %slice3A_84, %slice3A_84 : vector<64x4096xbf16>
    %dot_general3A_90 = arith.constant dense<0.000000e+00> : vector<1x4096xf32>
    %dot_general3A_91 = tpu.matmul %broadcast_in_dim3A_88, %mul3A_89, %dot_general3A_90 {dimension_numbers = #tpu.dot_dimension_numbers<[1], [0], [0], [1], [0, 0, 1, 1], [], []>, transpose_lhs_hint = false} : vector<1x64xbf16>, vector<64x4096xbf16>, vector<1x4096xf32> -> vector<1x4096xf32>
    %slice3A_92 = vector.extract_strided_slice %dot_general3A_86 {offsets = [4, 0], sizes = [1, 4096], strides = [1, 1]} : vector<5x4096xf32> to vector<1x4096xf32>
    %mul3A_93 = arith.constant 2.000000e+00 : f32
    %mul3A_94 = vector.broadcast %mul3A_93 : f32 to vector<1x4096xf32>
    %mul3A_95 = arith.mulf %mul3A_94, %slice3A_92 : vector<1x4096xf32>
    %sub3A_96 = arith.subf %dot_general3A_91, %mul3A_95 : vector<1x4096xf32>
    %add3A_97 = vector.broadcast %broadcast_in_dim3A_20 : vector<1x1xf32> to vector<1x4096xf32>
    %add3A_98 = arith.addf %sub3A_96, %add3A_97 : vector<1x4096xf32>
    %slice3A_99 = vector.extract_strided_slice %dot_general3A_86 {offsets = [0, 0], sizes = [4, 4096], strides = [1, 1]} : vector<5x4096xf32> to vector<4x4096xf32>
    %sub3A_100 = vector.broadcast %broadcast_in_dim3A_16 : vector<4x1xf32> to vector<4x4096xf32>
    %sub3A_101 = arith.subf %slice3A_99, %sub3A_100 : vector<4x4096xf32>
    %concatenate3A_102 = tpu.concatenate %sub3A_83, %sub3A_101 in 0 : vector<4x4096xf32>, vector<4x4096xf32> -> vector<8x4096xf32>
    %broadcast_in_dim3A_103 = vector.shape_cast %add3A_80 : vector<1x4096xf32> to vector<1x4096xf32>
    %broadcast_in_dim3A_104 = vector.broadcast %broadcast_in_dim3A_103 : vector<1x4096xf32> to vector<4x4096xf32>
    %broadcast_in_dim3A_105 = vector.shape_cast %add3A_98 : vector<1x4096xf32> to vector<1x4096xf32>
    %broadcast_in_dim3A_106 = vector.broadcast %broadcast_in_dim3A_105 : vector<1x4096xf32> to vector<4x4096xf32>
    %concatenate3A_107 = tpu.concatenate %broadcast_in_dim3A_104, %broadcast_in_dim3A_106 in 0 : vector<4x4096xf32>, vector<4x4096xf32> -> vector<8x4096xf32>
    %sub3A_108 = vector.broadcast %concatenate3A_63 : vector<8x1xf32> to vector<8x4096xf32>
    %sub3A_109 = arith.subf %sub3A_108, %concatenate3A_102 : vector<8x4096xf32>
    %mul3A_110 = vector.broadcast %concatenate3A_64 : vector<8x1xf32> to vector<8x4096xf32>
    %mul3A_111 = arith.mulf %sub3A_109, %mul3A_110 : vector<8x4096xf32>
    %mul3A_112 = vector.broadcast %concatenate3A_62 : vector<8x1xf32> to vector<8x4096xf32>
    %mul3A_113 = arith.mulf %mul3A_112, %concatenate3A_102 : vector<8x4096xf32>
    %sub3A_114 = vector.broadcast %concatenate3A_66 : vector<8x1xf32> to vector<8x4096xf32>
    %sub3A_115 = arith.subf %sub3A_114, %mul3A_113 : vector<8x4096xf32>
    %mul3A_116 = arith.mulf %concatenate3A_102, %concatenate3A_102 : vector<8x4096xf32>
    %sub3A_117 = arith.subf %concatenate3A_107, %mul3A_116 : vector<8x4096xf32>
    %mul3A_118 = vector.broadcast %concatenate3A_65 : vector<8x1xf32> to vector<8x4096xf32>
    %mul3A_119 = arith.mulf %mul3A_118, %sub3A_117 : vector<8x4096xf32>
    %sub3A_120 = arith.subf %sub3A_115, %mul3A_119 : vector<8x4096xf32>
    %abs3A = math.absf %mul3A_111 : vector<8x4096xf32>
    %mul3A_121 = arith.constant 5.000000e-01 : f32
    %mul3A_122 = vector.broadcast %mul3A_121 : f32 to vector<8x4096xf32>
    %mul3A_123 = arith.mulf %mul3A_122, %abs3A : vector<8x4096xf32>
    %add3A_124 = arith.constant 1.000000e+00 : f32
    %add3A_125 = vector.broadcast %add3A_124 : f32 to vector<8x4096xf32>
    %add3A_126 = arith.addf %add3A_125, %mul3A_123 : vector<8x4096xf32>
    %div3A_127 = arith.constant 1.000000e+00 : f32
    %div3A_128 = vector.broadcast %div3A_127 : f32 to vector<8x4096xf32>
    %div3A_129 = arith.divf %div3A_128, %add3A_126 : vector<8x4096xf32>
    %broadcast_in_dim3A_130 = arith.constant 0.170872763 : f32
    %broadcast_in_dim3A_131 = vector.broadcast %broadcast_in_dim3A_130 : f32 to vector<8x4096xf32>
    %mul3A_132 = arith.mulf %broadcast_in_dim3A_131, %div3A_129 : vector<8x4096xf32>
    %add3A_133 = arith.constant -0.822152256 : f32
    %add3A_134 = vector.broadcast %add3A_133 : f32 to vector<8x4096xf32>
    %add3A_135 = arith.addf %mul3A_132, %add3A_134 : vector<8x4096xf32>
    %mul3A_136 = arith.mulf %add3A_135, %div3A_129 : vector<8x4096xf32>
    %add3A_137 = arith.constant 1.48851585 : f32
    %add3A_138 = vector.broadcast %add3A_137 : f32 to vector<8x4096xf32>
    %add3A_139 = arith.addf %mul3A_136, %add3A_138 : vector<8x4096xf32>
    %mul3A_140 = arith.mulf %add3A_139, %div3A_129 : vector<8x4096xf32>
    %add3A_141 = arith.constant -1.13520396 : f32
    %add3A_142 = vector.broadcast %add3A_141 : f32 to vector<8x4096xf32>
    %add3A_143 = arith.addf %mul3A_140, %add3A_142 : vector<8x4096xf32>
    %mul3A_144 = arith.mulf %add3A_143, %div3A_129 : vector<8x4096xf32>
    %add3A_145 = arith.constant 0.278868079 : f32
    %add3A_146 = vector.broadcast %add3A_145 : f32 to vector<8x4096xf32>
    %add3A_147 = arith.addf %mul3A_144, %add3A_146 : vector<8x4096xf32>
    %mul3A_148 = arith.mulf %add3A_147, %div3A_129 : vector<8x4096xf32>
    %add3A_149 = arith.constant -0.186288059 : f32
    %add3A_150 = vector.broadcast %add3A_149 : f32 to vector<8x4096xf32>
    %add3A_151 = arith.addf %mul3A_148, %add3A_150 : vector<8x4096xf32>
    %mul3A_152 = arith.mulf %add3A_151, %div3A_129 : vector<8x4096xf32>
    %add3A_153 = arith.constant 0.0967841818 : f32
    %add3A_154 = vector.broadcast %add3A_153 : f32 to vector<8x4096xf32>
    %add3A_155 = arith.addf %mul3A_152, %add3A_154 : vector<8x4096xf32>
    %mul3A_156 = arith.mulf %add3A_155, %div3A_129 : vector<8x4096xf32>
    %add3A_157 = arith.constant 0.374091953 : f32
    %add3A_158 = vector.broadcast %add3A_157 : f32 to vector<8x4096xf32>
    %add3A_159 = arith.addf %mul3A_156, %add3A_158 : vector<8x4096xf32>
    %mul3A_160 = arith.mulf %add3A_159, %div3A_129 : vector<8x4096xf32>
    %add3A_161 = arith.constant 1.00002372 : f32
    %add3A_162 = vector.broadcast %add3A_161 : f32 to vector<8x4096xf32>
    %add3A_163 = arith.addf %mul3A_160, %add3A_162 : vector<8x4096xf32>
    %neg3A_164 = arith.constant 0.000000e+00 : f32
    %neg3A_165 = vector.broadcast %neg3A_164 : f32 to vector<8x4096xf32>
    %neg3A_166 = arith.subf %neg3A_165, %mul3A_111 : vector<8x4096xf32>
    %mul3A_167 = arith.mulf %neg3A_166, %mul3A_111 : vector<8x4096xf32>
    %sub3A_168 = arith.constant 1.26551223 : f32
    %sub3A_169 = vector.broadcast %sub3A_168 : f32 to vector<8x4096xf32>
    %sub3A_170 = arith.subf %mul3A_167, %sub3A_169 : vector<8x4096xf32>
    %mul3A_171 = arith.mulf %div3A_129, %add3A_163 : vector<8x4096xf32>
    %add3A_172 = arith.addf %sub3A_170, %mul3A_171 : vector<8x4096xf32>
    %log3A = math.log %div3A_129 : vector<8x4096xf32>
    %add3A_173 = arith.addf %add3A_172, %log3A : vector<8x4096xf32>
    %exp3A_174 = math.exp %add3A_173 : vector<8x4096xf32>
    %sub3A_175 = arith.constant 2.000000e+00 : f32
    %sub3A_176 = vector.broadcast %sub3A_175 : f32 to vector<8x4096xf32>
    %sub3A_177 = arith.subf %sub3A_176, %exp3A_174 : vector<8x4096xf32>
    %log3A_178 = math.log %sub3A_177 : vector<8x4096xf32>
    %ge3A = arith.constant 0.000000e+00 : f32
    %ge3A_179 = vector.broadcast %ge3A : f32 to vector<8x4096xf32>
    %ge3A_180 = arith.cmpf oge, %mul3A_111, %ge3A_179 : vector<8x4096xf32>
    %select_n3A = arith.select %ge3A_180, %add3A_173, %log3A_178 : vector<8x4096xi1>, vector<8x4096xf32>
    %add3A_181 = arith.addf %sub3A_120, %select_n3A : vector<8x4096xf32>
    %mul3A_182 = arith.constant -2.000000e+00 : f32
    %mul3A_183 = arith.mulf %mul3A_182, %get3A_24 : f32
    %exp3A_184 = math.exp %mul3A_183 : f32
    %mul3A_185 = arith.constant 5.000000e-01 : f32
    %mul3A_186 = arith.mulf %mul3A_185, %exp3A_184 : f32
    %mul3A_187 = arith.constant -6.400000e+01 : f32
    %mul3A_188 = arith.mulf %mul3A_187, %get3A_24 : f32
    %mul3A_189 = vector.broadcast %mul3A_186 : f32 to vector<1x4096xf32>
    %mul3A_190 = arith.mulf %add3A_80, %mul3A_189 : vector<1x4096xf32>
    %sub3A_191 = vector.broadcast %mul3A_188 : f32 to vector<1x4096xf32>
    %sub3A_192 = arith.subf %sub3A_191, %mul3A_190 : vector<1x4096xf32>
    %slice3A_193 = vector.extract_strided_slice %add3A_181 {offsets = [0, 0], sizes = [4, 4096], strides = [1, 1]} : vector<8x4096xf32> to vector<4x4096xf32>
    %broadcast_in_dim3A_194 = arith.constant 0.000000e+00 : f32
    %broadcast_in_dim3A_195 = vector.broadcast %broadcast_in_dim3A_194 : f32 to vector<3x4096xf32>
    %concatenate3A_196 = tpu.concatenate %sub3A_192, %slice3A_193, %broadcast_in_dim3A_195 in 0 : vector<1x4096xf32>, vector<4x4096xf32>, vector<3x4096xf32> -> vector<8x4096xf32>
    %swap3A = arith.constant 0 : index
    %swap3A_197 = arith.constant 0 : index
    %swap3A_198 = vector.load %arg6[%swap3A, %swap3A_197] : memref<8x8192xf32, #tpu.memory_space<vmem>>, vector<8x4096xf32>
    tpu.vector_store %arg6[%swap3A, %swap3A_197], %concatenate3A_196 {strides = array<i32>} : memref<8x8192xf32, #tpu.memory_space<vmem>>, vector<8x4096xf32>,
    %mul3A_199 = arith.constant -6.400000e+01 : f32
    %mul3A_200 = arith.mulf %mul3A_199, %get3A_24 : f32
    %mul3A_201 = vector.broadcast %mul3A_186 : f32 to vector<1x4096xf32>
    %mul3A_202 = arith.mulf %add3A_98, %mul3A_201 : vector<1x4096xf32>
    %sub3A_203 = vector.broadcast %mul3A_200 : f32 to vector<1x4096xf32>
    %sub3A_204 = arith.subf %sub3A_203, %mul3A_202 : vector<1x4096xf32>
    %slice3A_205 = vector.extract_strided_slice %add3A_181 {offsets = [4, 0], sizes = [4, 4096], strides = [1, 1]} : vector<8x4096xf32> to vector<4x4096xf32>
    %broadcast_in_dim3A_206 = arith.constant 0.000000e+00 : f32
    %broadcast_in_dim3A_207 = vector.broadcast %broadcast_in_dim3A_206 : f32 to vector<3x4096xf32>
    %concatenate3A_208 = tpu.concatenate %sub3A_204, %slice3A_205, %broadcast_in_dim3A_207 in 0 : vector<1x4096xf32>, vector<4x4096xf32>, vector<3x4096xf32> -> vector<8x4096xf32>
    %swap3A_209 = arith.constant 0 : index
    %swap3A_210 = arith.constant 4096 : index
    %swap3A_211 = vector.load %arg6[%swap3A_209, %swap3A_210] : memref<8x8192xf32, #tpu.memory_space<vmem>>, vector<8x4096xf32>
    tpu.vector_store %arg6[%swap3A_209, %swap3A_210], %concatenate3A_208 {strides = array<i32>} : memref<8x8192xf32, #tpu.memory_space<vmem>>, vector<8x4096xf32>,
    return
  }
  func.func @transform_0(%arg0: i32) -> (i32, i32) {
    %c0_i32 = arith.constant 0 : i32
    %c0_i32_0 = arith.constant 0 : i32
    return %c0_i32, %arg0 : i32, i32
  }
  func.func @transform_1(%arg0: i32) -> (i32, i32) {
    %c0_i32 = arith.constant 0 : i32
    %c0_i32_0 = arith.constant 0 : i32
    %c0_i32_1 = arith.constant 0 : i32
    return %c0_i32, %c0_i32_0 : i32, i32
  }
  func.func @transform_2(%arg0: i32) -> (i32, i32) {
    %c0_i32 = arith.constant 0 : i32
    %c0_i32_0 = arith.constant 0 : i32
    %c0_i32_1 = arith.constant 0 : i32
    return %c0_i32, %c0_i32_0 : i32, i32
  }
  func.func @transform_3(%arg0: i32) -> (i32, i32) {
    %c0_i32 = arith.constant 0 : i32
    %c0_i32_0 = arith.constant 0 : i32
    %c0_i32_1 = arith.constant 0 : i32
    return %c0_i32, %c0_i32_0 : i32, i32
  }
  func.func @transform_4(%arg0: i32) -> (i32, i32) {
    %c0_i32 = arith.constant 0 : i32
    %c0_i32_0 = arith.constant 0 : i32
    %c0_i32_1 = arith.constant 0 : i32
    return %c0_i32, %c0_i32_0 : i32, i32
  }
  func.func @transform_5(%arg0: i32) -> (i32, i32) {
    %c0_i32 = arith.constant 0 : i32
    %c0_i32_0 = arith.constant 0 : i32
    return %c0_i32, %arg0 : i32, i32
  }
}

</mosaic_0001>

<sc_bundles>
// kernel: kernel.5.cloned.1.call-start
scs
__scs_entry_jumppad:
0x0: {  	(pc) =	sbr.rel $0x88, $3  }
0x1: {  	(tag) =	ssettag $0x0;
	lr =	simm.s32 $0x1  }
0x2: {  	[smem:$0x3F97] =	sst lr;
	_ =	strace $0xD0000000  }
0x3: {  	_ = 	snop  }
0x4: {  	_ = 	snop  }
0x5: {  	_ = 	snop  }
0x6: {  	_ = 	snop  }
0x7: {  	_ = 	snop  }
__scs_overlays_trampoline_lowered:
0x8: {  	[smem:$0x3FA6] =	sst s0  }
0x9: {  	[smem:$0x3FA7] =	sst s1  }
0xa: {  	[smem:$0x3FA8] =	sst s2  }
0xb: {  	[smem:$0x3FA9] =	sst s3  }
0xc: {  	[smem:$0x3FAA] =	sst s4  }
0xd: {  	[smem:$0x3FAB] =	sst s5  }
0xe: {  	[smem:$0x3FAC] =	sst s6  }
0xf: {  	[smem:$0x3FAD] =	sst s7  }
0x10: {  	[smem:$0x3FAE] =	sst s8  }
0x11: {  	[smem:$0x3FAF] =	sst s9;
	s0 =	simm.s32 @!p0 $0x0  }
0x12: {  	s1 =	sld [smem:$0x3F95];
	s0 =	simm.s32 @p0 $0x1  }
0x13: {  	[smem:$0x3FB0] =	sst s0;
	s0 =	simm.s32 @!p1 $0x0  }
0x14: {  	s2 =	sld [smem:$0x3F94];
	s0 =	simm.s32 @p1 $0x1  }
0x15: {  	[smem:$0x3FB1] =	sst s0;
	s0 =	simm.s32 @!p2 $0x0  }
0x16: {  	s3 =	sld [smem:$0x3FDB];
	s0 =	simm.s32 @p2 $0x1  }
0x17: {  	s4 =	simm.s32 $0x1BF5;
	[smem:$0x3FB3] =	sst s0  }
0x18: {  	s0 =	sld [smem:$0x3F96];
	_ =	swait.ge [sflag:s4], $0x0  }
0x19: {  	s7 =	sld [smem:$0x3F97]  }
0x1a: {  	s8 =	sadd.s32 $0xFFFFE003, lr  }
0x1b: {  	s9 =	sadd.s32 $0xFFFFFEF7, lr;
	s5 =	simm.s32 $0xFFFFFFFF;
	p2 =	slt.u32 s8, $0xFFFFF086  }
0x1c: {  	p1 =	slt.u32 s9, $0xF7A;
	s5 =	simm.s32 @!p2 $0x0  }
0x1d: {  	s5 =	simm.s32 @p1 $0x1;
	p0 =	seq.s32 s7, s2  }
0x1e: {  	s7 =	smul.u32 @!p0 $0xF7A, s2;
	p2 =	seq.s32 @!p0 s5, $0x0  }
0x1f: {  	s9 =	smul.u32 $0xF7A, s1;
	s8 =	simm.s32 @!p0 $0x1BF5;
	p2 =	por !p2, p0  }
0x20: {  	[sflag:s8] =	ssyncset.s32 @!p0 $0xFFFFF086;
	s6 =	sadd.s32 @!p0 s3, s7;
	s7 =	simm.s32 @!p0 $0x108  }
0x21: {  	s3 =	sadd.s32 s3, s9;
	s6 =	sadd.s32 @!p0 $0x88, s6;
	s7 =	simm.s32 @p2 $0x1082  }
0x22: {  	[simem:s7], [sflag:s8] =	dma.local @!p0 [hbm:s6], $0xF7A  }
0x23: {  	s9 =	sor.u32 $0xD0000000, s2;
	s6 =	simm.s32 $0x108;
	_ =	swait.ge @!p0 [sflag:s8], $0x0  }
0x24: {  	s3 =	sadd.s32 $0x88, s3;
	s6 =	simm.s32 @!p1 $0x1082;
	[sflag:s4] =	ssyncset.s32 $0xFFFFF086  }
0x25: {  	[simem:s6], [sflag:s4] =	dma.local [hbm:s3], $0xF7A  }
0x26: {  	[smem:$0x3F97] =	sst s1;
	(tag) =	ssettag s2;
	_ =	strace s9  }
0x27: {  	s1 =	sld [smem:$0x3FA7]  }
0x28: {  	s2 =	sld [smem:$0x3FA8]  }
0x29: {  	s4 =	sld [smem:$0x3FAA]  }
0x2a: {  	p0 =	seq.s32 s5, $0x0;
	s5 =	sld [smem:$0x3FAB]  }
0x2b: {  	s6 =	sld [smem:$0x3FAC]  }
0x2c: {  	s7 =	sld [smem:$0x3FAD]  }
0x2d: {  	s3 =	simm.s32 $0x108;
	s8 =	sld [smem:$0x3FAE]  }
0x2e: {  	s3 =	simm.s32 @!p0 $0x1082;
	s9 =	sld [smem:$0x3FAF]  }
0x2f: {  	lr =	sadd.s32 s0, s3;
	s0 =	sld [smem:$0x3FA6]  }
0x30: {  	s3 =	sld [smem:$0x3FA9]  }
0x31: {  	[smem:$0x3FB2] =	sst s10  }
0x32: {  	s10 =	sld [smem:$0x3FB0];
	_ =	sdelay $0x3  }
0x33: {  	p0 =	seq.s32 s10, $0x1;
	s10 =	sld [smem:$0x3FB2];
	_ =	sdelay $0x3  }
0x34: {  	[smem:$0x3FB2] =	sst s10  }
0x35: {  	s10 =	sld [smem:$0x3FB1];
	_ =	sdelay $0x3  }
0x36: {  	p1 =	seq.s32 s10, $0x1;
	s10 =	sld [smem:$0x3FB2];
	_ =	sdelay $0x3  }
0x37: {  	[smem:$0x3FB2] =	sst s10  }
0x38: {  	s10 =	sld [smem:$0x3FB3]  }
0x39: {  	_ = 	snop;
	(pc) =	sbr.ind lr, $3  }
0x3a: {  	_ = 	snop  }
0x3b: {  	_ = 	snop  }
0x3c: {  	p2 =	seq.s32 s10, $0x1;
	s10 =	sld [smem:$0x3FB2]  }
0x3d: {  	_ =	shalt  }
0x3e: {  	_ =	shalt  }
0x3f: {  	_ =	shalt  }
0x40: {  	_ =	shalt  }
0x41: {  	_ =	shalt  }
0x42: {  	_ =	shalt  }
0x43: {  	_ =	shalt  }
0x44: {  	_ =	shalt  }
0x45: {  	_ =	shalt  }
0x46: {  	_ =	shalt  }
0x47: {  	_ =	shalt  }
0x48: {  	_ =	shalt  }
0x49: {  	_ =	shalt  }
0x4a: {  	_ =	shalt  }
0x4b: {  	_ =	shalt  }
0x4c: {  	_ =	shalt  }
0x4d: {  	_ =	shalt  }
0x4e: {  	_ =	shalt  }
0x4f: {  	_ =	shalt  }
0x50: {  	_ =	shalt  }
0x51: {  	_ =	shalt  }
0x52: {  	_ =	shalt  }
0x53: {  	_ =	shalt  }
0x54: {  	_ =	shalt  }
0x55: {  	_ =	shalt  }
0x56: {  	_ =	shalt  }
0x57: {  	_ =	shalt  }
0x58: {  	_ =	shalt  }
0x59: {  	_ =	shalt  }
0x5a: {  	_ =	shalt  }
0x5b: {  	_ =	shalt  }
0x5c: {  	_ =	shalt  }
0x5d: {  	_ =	shalt  }
0x5e: {  	_ =	shalt  }
0x5f: {  	_ =	shalt  }
0x60: {  	_ =	shalt  }
0x61: {  	_ =	shalt  }
0x62: {  	_ =	shalt  }
0x63: {  	_ =	shalt  }
0x64: {  	_ =	shalt  }
0x65: {  	_ =	shalt  }
0x66: {  	_ =	shalt  }
0x67: {  	_ =	shalt  }
0x68: {  	_ =	shalt  }
0x69: {  	_ =	shalt  }
0x6a: {  	_ =	shalt  }
0x6b: {  	_ =	shalt  }
0x6c: {  	_ =	shalt  }
0x6d: {  	_ =	shalt  }
0x6e: {  	_ =	shalt  }
0x6f: {  	_ =	shalt  }
0x70: {  	_ =	shalt  }
0x71: {  	_ =	shalt  }
0x72: {  	_ =	shalt  }
0x73: {  	_ =	shalt  }
0x74: {  	_ =	shalt  }
0x75: {  	_ =	shalt  }
0x76: {  	_ =	shalt  }
0x77: {  	_ =	shalt  }
0x78: {  	_ =	shalt  }
0x79: {  	_ =	shalt  }
0x7a: {  	_ =	shalt  }
0x7b: {  	_ =	shalt  }
0x7c: {  	_ =	shalt  }
0x7d: {  	_ =	shalt  }
0x7e: {  	_ =	shalt  }
0x7f: {  	_ =	shalt  }
0x80: {  	_ =	shalt  }
0x81: {  	_ =	shalt  }
0x82: {  	_ =	shalt  }
0x83: {  	_ =	shalt  }
0x84: {  	_ =	shalt  }
0x85: {  	_ =	shalt  }
0x86: {  	_ =	shalt  }
0x87: {  	_ =	shalt  }
.Lfunc_end0:
.L_simem_size_0:
called_computation_lowered:
.L_overlay_start_0:
0x88: {  	s2 =	sld [smem:$0x3FD9]  }
0x89: {  	s3 =	sld [smem:$0x3FFE];
	_ =	sdelay $0x1  }
0x8a: {  	s1 =	srdreg.scid  }
0x8b: {  	s0 =	sand.u32 $0x1, s1  }
0x8c: {  	s17 =	sshll.u32 s0, $0xA;
	s2 =	sadd.s32 s3, s2  }
0x8d: {  	s2 =	sadd.s32 s2, s17  }
0x8e: {  	[smem:$0x3FBE] =	sst s2  }
0x8f: {  	_ = 	snop  }
0x90: {  	s2 =	sld [smem:$0x3FC0];
	(tm) =	ssettm $0x1  }
0x91: {  	s18 =	sld [smem:$0x3FFB];
	_ =	sdelay $0x3  }
0x92: {  	_ =	strace s18  }
0x93: {  	s3 =	sld [smem:$0x3FFC];
	_ =	sdelay $0x3  }
0x94: {  	_ =	strace s3  }
0x95: {  	s3 =	sld [smem:$0x3FFD];
	_ =	sdelay $0x3  }
0x96: {  	_ =	strace s3  }
0x97: {  	_ =	strace $0x8FFFFFFF  }
0x98: {  	s19 =	sld [smem:$0x3FDB];
	_ =	sdelay $0x1  }
0x99: {  	s4 =	simm.s32 $_scs_section_size  }
0x9a: {  	s5 =	simm.s32 $_size__tile_overlayer_lowered;
	s6 =	simm.s32 $_tile_overlayer_lowered  }
0x9b: {  	s22 =	simm.s32 $0x1BFF;
	s21 =	sshll.u32 s6, $0x1;
	s3 =	sadd.s32 s4, s19  }
0x9c: {  	s7 =	simm.s32 $0x0;
	s20 =	sshll.u32 s5, $0x1;
	s5 =	sadd.s32 s21, s3  }
0x9d: {  	[timem:s7], [sflag:s22] =	dma.local [hbm:s5], s20  }
0x9e: {  	_ =	swait.ge [sflag:s22], s20  }
0x9f: {  	s4 =	ssub.s32 $0x0, s20;
	[sflag:s22] =	ssyncset.done $0x0  }
0xa0: {  	[sflag:s22] =	ssyncadd.s32 s4;
	_ =	sdelay $0x1  }
0xa1: {  	s23 =	simm.s32 $0x1B8B  }
0xa2: {  	_ =	swait.ge [sflag:s23], $0x1  }
0xa3: {  	[sflag:s23] =	ssyncset.done $0x0  }
0xa4: {  	s25 =	simm.s32 $0x1B8E;
	s24 =	sld [smem:$0x3FFE];
	[sflag:s23] =	ssyncadd.s32 $0xFFFFFFFF  }
0xa5: {  	s26 =	simm.s32 $execute0_lowered;
	[smem:$0x3FD2] =	sst s25  }
0xa6: {  	s5 =	sshll.u32 s26, $0x1;
	_ =	strace $0x80000046;
	[dreg:$0x1] =	wrdreg $0xFFFFFFFF  }
0xa7: {  	s28 =	simm.s32 $_size_execute0_lowered;
	s3 =	sadd.s32 s3, s5;
	[dreg:$0x0] =	wrdreg $0x0  }
0xa8: {  	s5 =	sshll.u32 s28, $0x1;
	[dreg:$0x2] =	wrdreg s3  }
0xa9: {  	[dreg:$0x3] =	wrdreg s5  }
0xaa: {  	[dreg:$0x4] =	wrdreg $0xC0  }
0xab: {  	_ =	task [dreg:s7], $0x5FFFF  }
0xac: {  	[dreg:$0x1] =	wrdreg $0xFFFFFFFF  }
0xad: {  	[dreg:$0x0] =	wrdreg $0x60  }
0xae: {  	[dreg:$0x2] =	wrdreg s24  }
0xaf: {  	[dreg:$0x3] =	wrdreg s2  }
0xb0: {  	[dreg:$0x4] =	wrdreg $0x9  }
0xb1: {  	_ =	task.clear_ibuf [dreg:s7], $0x5FFFF;
	_ =	strace $0x90000046  }
0xb2: {  	s29 =	simm.s32 $0x9;
	_ =	strace $0x80000048  }
0xb3: {  	_ =	swait.ge [sflag:s29], $0x1  }
0xb4: {  	[sflag:s29] =	ssyncadd.s32 $0xFFFFFFFF  }
0xb5: {  	_ =	strace $0x90000048  }
0xb6: {  	_ =	sfence  }
0xb7: {  	s30 =	sld [smem:$0x0];
	_ =	sdelay $0x2  }
0xb8: {  	s31 =	sshll.u32 s1, $0xD;
	s1 =	sshrl.u32 s1, $0x2  }
0xb9: {  	s3 =	sand.u32 $0x4000, s31;
	s1 =	sadd.s32 s1, s30  }
0xba: {  	s0 =	sor.u32 s3, s0;
	s1 =	sshll.u32 s1, $0x11  }
0xbb: {  	s0 =	sor.u32 s1, s0  }
0xbc: {  	s0 =	sadd.s32 $0x8F2B, s0  }
0xbd: {  	[sflag:s0] =	ssyncadd.remote.s32 $0x1  }
0xbe: {  	_ =	sfence.sel $0xFFFF  }
0xbf: {  	[dreg:$0x0] =	wrdreg $0xFFFFFFFF;
	(pc) =	sbr.abs _section_cstart, $3  }
0xc0: {  	[dreg:$0x1] =	wrdreg $0xFFFFFFFF  }
0xc1: {  	_ =	task.clear_ibuf [dreg:s7], $0x2FFFF;
	_ =	strace $0x9FFFFFFF  }
0xc2: {  	(tm) =	ssettm $0x7FFFFFFF  }
0xc3: {  	_ =	shalt  }
tec
execute0_lowered:
.L_overlay_start_1:
0x0: {  	(tag) =	ssettag $0x1  }
0x1: {  	s0 =	rddreg [dreg:$0x0]  }
0x2: {  	s1 =	srdreg.scid;
	s5 =	stileid.u32  }
0x3: {  	s3 =	rddreg [dreg:$0x1];
	s12 =	simm.s32 $0x1;
	s14 =	simm.s32 $0x400  }
0x4: {  	s26 =	simm.s32 $0x80;
	s30 =	simm.s32 $0x1600;
	s31 =	simm.s32 $0x1A00  }
0x5: {  	s11 =	simm.s32 $0x0;
	s1 =	sand.u32 $0x1, s1;
	s2 =	sshll.u32 s5, $0x1  }
0x6: {  	s5 =	sshrl.u32 s5, $0x2;
	s4 =	sor.u32 s1, s2;
	s2 =	simm.s32 $0x0  }
0x7: {  	s5 =	smul.u32 $0x2800, s5;
	s1 =	ssub.s32 $0x2, s1;
	s6 =	sshll.u32 s4, $0x7  }
0x8: {  	[smem:$0x7FF] =	sst s2;
	s4 =	sshll.u32 s4, $0xA;
	s29 =	sshrl.u32 s1, $0x1  }
0x9: {  	s7 =	sand.u32 $0x380, s6;
	_ =	strace $0x80000047;
	s8 =	sadd.s32 s4, s0  }
0xa: {  	s1 =	ssub.s32 s1, s29;
	s3 =	sadd.s32 s3, s6;
	s5 =	sor.u32 s5, s7  }
0xb: {  	s4 =	sadd.s32 $0x1000, s8;
	s6 =	sadd.s32 $0x1020, s8;
	s7 =	sadd.s32 $0x1030, s8  }
.Ltmp0:
0xc: {  	s10 =	smax.u32 s1, $0x1;
	s1 =	simm.s32 $0x1E00;
	(pc) =	sbr.rel .LBB2_1-.Ltmp0, $4  }
0xd: {  	s5 =	sshrl.u32 s5, $0x3;
	s13 =	sadd.s32 $0x80, s4;
	s15 =	sadd.s32 $0x100, s4  }
0xe: {  	s17 =	sadd.s32 $0x180, s4;
	s19 =	sadd.s32 $0x200, s4;
	s21 =	sadd.s32 $0x280, s4  }
0xf: {  	s23 =	sadd.s32 $0x300, s4;
	s0 =	sadd.s32 s5, s0;
	s5 =	sadd.s32 $0x1010, s8  }
0x10: {  	v0 =	vimm.f32 $0.0e+00;
	s8 =	sadd.s32 $0x1040, s8;
	s9 =	sadd.s32 $0x9000, s0;
	s0 =	simm.s32 $0x2400  }
.LBB2_5:
0x11: {  	s11 =	sadd.s32 $0x1, s11  }
0x12: {  	p0 =	sne.s32 s11, s10  }
.Ltmp1:
0x13: {  	_ = 	snop;
	(pc) =	sbr.rel @!p0 .LBB2_6-.Ltmp1, $4  }
0x14: {  	[hbm4b:s9+s26] =	stream.strided.scatter [tilespmem:s0], [sflag:$0x1], $0x500, s14, s26, $0x38;
	[tilespmem:$0x2900] =	vst v63  }
0x15: {  	_ =	swait.ge [sflag:s12], $0x500  }
0x16: {  	[sflag:s12] =	ssyncset.done $0x0  }
0x17: {  	[sflag:s12] =	ssyncadd.s32 $0xFFFFFB00  }
.LBB2_1:
0x18: {  	s16 =	simm.s32 $0x2000  }
0x19: {  	[tilespmem:s16], [sflag:$0x1] =	stream.linear.gather [hbm4b:s3+s2], $0x400, $0x38;
	[tilespmem:$0x2900] =	vst v63  }
0x1a: {  	_ =	swait.ge [sflag:s12], $0x400  }
0x1b: {  	[sflag:s12] =	ssyncset.done $0x0  }
0x1c: {  	[sflag:s12] =	ssyncadd.s32 $0xFFFFFC00  }
0x1d: {  	[tilespmem:s2], [sflag:$0x1] =	stream.linear.gather [hbm4b:s4+s2], $0x80, $0x38;
	[tilespmem:$0x2900] =	vst v63  }
0x1e: {  	_ = 	snop  }
0x1f: {  	[tilespmem:s14], [sflag:$0x1] =	stream.linear.gather [hbm4b:s13+s2], $0x80, $0x38;
	[tilespmem:$0x2900] =	vst v63  }
0x20: {  	s25 =	simm.s32 $0x800  }
0x21: {  	[tilespmem:s25], [sflag:$0x1] =	stream.linear.gather [hbm4b:s15+s2], $0x80, $0x38;
	[tilespmem:$0x2900] =	vst v63  }
0x22: {  	s28 =	simm.s32 $0xC00  }
0x23: {  	[tilespmem:s28], [sflag:$0x1] =	stream.linear.gather [hbm4b:s17+s2], $0x80, $0x38;
	[tilespmem:$0x2900] =	vst v63  }
0x24: {  	s29 =	simm.s32 $0x1000  }
0x25: {  	[tilespmem:s29], [sflag:$0x1] =	stream.linear.gather [hbm4b:s19+s2], $0x80, $0x38;
	[tilespmem:$0x2900] =	vst v63  }
0x26: {  	s18 =	simm.s32 $0x1400  }
0x27: {  	[tilespmem:s18], [sflag:$0x1] =	stream.linear.gather [hbm4b:s21+s2], $0x80, $0x38;
	[tilespmem:$0x2900] =	vst v63  }
0x28: {  	s20 =	simm.s32 $0x1800  }
0x29: {  	[tilespmem:s20], [sflag:$0x1] =	stream.linear.gather [hbm4b:s23+s2], $0x80, $0x38;
	[tilespmem:$0x2900] =	vst v63  }
0x2a: {  	s22 =	sadd.s32 $0x380, s4;
	s18 =	simm.s32 $0x1C00  }
0x2b: {  	[tilespmem:s18], [sflag:$0x1] =	stream.linear.gather [hbm4b:s22+s2], $0x80, $0x38;
	[tilespmem:$0x2900] =	vst v63  }
0x2c: {  	_ =	swait.ge [sflag:s12], $0x400  }
0x2d: {  	[sflag:s12] =	ssyncset.done $0x0  }
0x2e: {  	[sflag:s12] =	ssyncadd.s32 $0xFFFFFC00  }
0x2f: {  	[tilespmem:s26], [sflag:$0x1] =	stream.linear.gather [hbm4b:s5+s2], $0x80, $0x38;
	[tilespmem:$0x2900] =	vst v63  }
0x30: {  	s24 =	sadd.s32 $0x80, s5;
	s25 =	simm.s32 $0x480  }
0x31: {  	[tilespmem:s25], [sflag:$0x1] =	stream.linear.gather [hbm4b:s24+s2], $0x80, $0x38;
	[tilespmem:$0x2900] =	vst v63  }
0x32: {  	s28 =	sadd.s32 $0x100, s5;
	s29 =	simm.s32 $0x880  }
0x33: {  	[tilespmem:s29], [sflag:$0x1] =	stream.linear.gather [hbm4b:s28+s2], $0x80, $0x38;
	[tilespmem:$0x2900] =	vst v63  }
0x34: {  	s20 =	sadd.s32 $0x180, s5;
	s22 =	simm.s32 $0xC80  }
0x35: {  	[tilespmem:s22], [sflag:$0x1] =	stream.linear.gather [hbm4b:s20+s2], $0x80, $0x38;
	[tilespmem:$0x2900] =	vst v63  }
0x36: {  	s24 =	sadd.s32 $0x200, s5;
	s25 =	simm.s32 $0x1080  }
0x37: {  	[tilespmem:s25], [sflag:$0x1] =	stream.linear.gather [hbm4b:s24+s2], $0x80, $0x38;
	[tilespmem:$0x2900] =	vst v63  }
0x38: {  	s28 =	sadd.s32 $0x280, s5;
	s29 =	simm.s32 $0x1480  }
0x39: {  	[tilespmem:s29], [sflag:$0x1] =	stream.linear.gather [hbm4b:s28+s2], $0x80, $0x38;
	[tilespmem:$0x2900] =	vst v63  }
0x3a: {  	s18 =	sadd.s32 $0x300, s5;
	s20 =	simm.s32 $0x1880  }
0x3b: {  	[tilespmem:s20], [sflag:$0x1] =	stream.linear.gather [hbm4b:s18+s2], $0x80, $0x38;
	[tilespmem:$0x2900] =	vst v63  }
0x3c: {  	s22 =	sadd.s32 $0x380, s5;
	s24 =	simm.s32 $0x1C80  }
0x3d: {  	[tilespmem:s24], [sflag:$0x1] =	stream.linear.gather [hbm4b:s22+s2], $0x80, $0x38;
	[tilespmem:$0x2900] =	vst v63  }
0x3e: {  	_ =	swait.ge [sflag:s12], $0x400  }
0x3f: {  	[sflag:s12] =	ssyncset.done $0x0  }
0x40: {  	s25 =	simm.s32 $0x100;
	[sflag:s12] =	ssyncadd.s32 $0xFFFFFC00  }
0x41: {  	[tilespmem:s25], [sflag:$0x1] =	stream.linear.gather [hbm4b:s6+s2], $0x80, $0x38;
	[tilespmem:$0x2900] =	vst v63  }
0x42: {  	s28 =	sadd.s32 $0x80, s6;
	s29 =	simm.s32 $0x500  }
0x43: {  	[tilespmem:s29], [sflag:$0x1] =	stream.linear.gather [hbm4b:s28+s2], $0x80, $0x38;
	[tilespmem:$0x2900] =	vst v63  }
0x44: {  	s20 =	sadd.s32 $0x100, s6;
	s22 =	simm.s32 $0x900  }
0x45: {  	[tilespmem:s22], [sflag:$0x1] =	stream.linear.gather [hbm4b:s20+s2], $0x80, $0x38;
	[tilespmem:$0x2900] =	vst v63  }
0x46: {  	s24 =	sadd.s32 $0x180, s6;
	s25 =	simm.s32 $0xD00  }
0x47: {  	[tilespmem:s25], [sflag:$0x1] =	stream.linear.gather [hbm4b:s24+s2], $0x80, $0x38;
	[tilespmem:$0x2900] =	vst v63  }
0x48: {  	s28 =	sadd.s32 $0x200, s6;
	s29 =	simm.s32 $0x1100  }
0x49: {  	[tilespmem:s29], [sflag:$0x1] =	stream.linear.gather [hbm4b:s28+s2], $0x80, $0x38;
	[tilespmem:$0x2900] =	vst v63  }
0x4a: {  	s20 =	sadd.s32 $0x280, s6;
	s22 =	simm.s32 $0x1500  }
0x4b: {  	[tilespmem:s22], [sflag:$0x1] =	stream.linear.gather [hbm4b:s20+s2], $0x80, $0x38;
	[tilespmem:$0x2900] =	vst v63  }
0x4c: {  	s24 =	sadd.s32 $0x300, s6;
	s25 =	simm.s32 $0x1900  }
0x4d: {  	[tilespmem:s25], [sflag:$0x1] =	stream.linear.gather [hbm4b:s24+s2], $0x80, $0x38;
	[tilespmem:$0x2900] =	vst v63  }
0x4e: {  	s28 =	sadd.s32 $0x380, s6;
	s29 =	simm.s32 $0x1D00  }
0x4f: {  	[tilespmem:s29], [sflag:$0x1] =	stream.linear.gather [hbm4b:s28+s2], $0x80, $0x38;
	[tilespmem:$0x2900] =	vst v63  }
0x50: {  	_ =	swait.ge [sflag:s12], $0x400  }
0x51: {  	[sflag:s12] =	ssyncset.done $0x0  }
0x52: {  	s18 =	simm.s32 $0x180;
	[sflag:s12] =	ssyncadd.s32 $0xFFFFFC00  }
0x53: {  	[tilespmem:s18], [sflag:$0x1] =	stream.linear.gather [hbm4b:s7+s2], $0x80, $0x38;
	[tilespmem:$0x2900] =	vst v63  }
0x54: {  	s20 =	sadd.s32 $0x80, s7;
	s22 =	simm.s32 $0x580  }
0x55: {  	[tilespmem:s22], [sflag:$0x1] =	stream.linear.gather [hbm4b:s20+s2], $0x80, $0x38;
	[tilespmem:$0x2900] =	vst v63  }
0x56: {  	s24 =	sadd.s32 $0x100, s7;
	s25 =	simm.s32 $0x980  }
0x57: {  	[tilespmem:s25], [sflag:$0x1] =	stream.linear.gather [hbm4b:s24+s2], $0x80, $0x38;
	[tilespmem:$0x2900] =	vst v63  }
0x58: {  	s28 =	sadd.s32 $0x180, s7;
	s29 =	simm.s32 $0xD80  }
0x59: {  	[tilespmem:s29], [sflag:$0x1] =	stream.linear.gather [hbm4b:s28+s2], $0x80, $0x38;
	[tilespmem:$0x2900] =	vst v63  }
0x5a: {  	s20 =	sadd.s32 $0x200, s7;
	s22 =	simm.s32 $0x1180  }
0x5b: {  	[tilespmem:s22], [sflag:$0x1] =	stream.linear.gather [hbm4b:s20+s2], $0x80, $0x38;
	[tilespmem:$0x2900] =	vst v63  }
0x5c: {  	s24 =	sadd.s32 $0x280, s7;
	s25 =	simm.s32 $0x1580  }
0x5d: {  	[tilespmem:s25], [sflag:$0x1] =	stream.linear.gather [hbm4b:s24+s2], $0x80, $0x38;
	[tilespmem:$0x2900] =	vst v63  }
0x5e: {  	s28 =	sadd.s32 $0x300, s7;
	s29 =	simm.s32 $0x1980  }
0x5f: {  	[tilespmem:s29], [sflag:$0x1] =	stream.linear.gather [hbm4b:s28+s2], $0x80, $0x38;
	[tilespmem:$0x2900] =	vst v63  }
0x60: {  	s18 =	sadd.s32 $0x380, s7;
	s20 =	simm.s32 $0x1D80  }
0x61: {  	[tilespmem:s20], [sflag:$0x1] =	stream.linear.gather [hbm4b:s18+s2], $0x80, $0x38;
	[tilespmem:$0x2900] =	vst v63  }
0x62: {  	_ =	swait.ge [sflag:s12], $0x400  }
0x63: {  	[sflag:s12] =	ssyncset.done $0x0  }
0x64: {  	s22 =	simm.s32 $0x200;
	[sflag:s12] =	ssyncadd.s32 $0xFFFFFC00  }
0x65: {  	[tilespmem:s22], [sflag:$0x1] =	stream.linear.gather [hbm4b:s8+s2], $0x80, $0x38;
	[tilespmem:$0x2900] =	vst v63  }
0x66: {  	s24 =	sadd.s32 $0x80, s8;
	s25 =	simm.s32 $0x600  }
0x67: {  	[tilespmem:s25], [sflag:$0x1] =	stream.linear.gather [hbm4b:s24+s2], $0x80, $0x38;
	[tilespmem:$0x2900] =	vst v63  }
0x68: {  	s28 =	sadd.s32 $0x100, s8;
	s29 =	simm.s32 $0xA00  }
0x69: {  	[tilespmem:s29], [sflag:$0x1] =	stream.linear.gather [hbm4b:s28+s2], $0x80, $0x38;
	[tilespmem:$0x2900] =	vst v63  }
0x6a: {  	s18 =	sadd.s32 $0x180, s8;
	s20 =	simm.s32 $0xE00  }
0x6b: {  	[tilespmem:s20], [sflag:$0x1] =	stream.linear.gather [hbm4b:s18+s2], $0x80, $0x38;
	[tilespmem:$0x2900] =	vst v63  }
0x6c: {  	s22 =	sadd.s32 $0x200, s8;
	s24 =	simm.s32 $0x1200  }
0x6d: {  	[tilespmem:s24], [sflag:$0x1] =	stream.linear.gather [hbm4b:s22+s2], $0x80, $0x38;
	[tilespmem:$0x2900] =	vst v63  }
0x6e: {  	s25 =	sadd.s32 $0x280, s8  }
0x6f: {  	[tilespmem:s30], [sflag:$0x1] =	stream.linear.gather [hbm4b:s25+s2], $0x80, $0x38;
	[tilespmem:$0x2900] =	vst v63  }
0x70: {  	s28 =	sadd.s32 $0x300, s8  }
0x71: {  	[tilespmem:s31], [sflag:$0x1] =	stream.linear.gather [hbm4b:s28+s2], $0x80, $0x38;
	[tilespmem:$0x2900] =	vst v63  }
0x72: {  	s29 =	sadd.s32 $0x380, s8  }
0x73: {  	[tilespmem:s1], [sflag:$0x1] =	stream.linear.gather [hbm4b:s29+s2], $0x80, $0x38;
	[tilespmem:$0x2900] =	vst v63  }
0x74: {  	_ =	swait.ge [sflag:s12], $0x400  }
0x75: {  	[sflag:s12] =	ssyncset.done $0x0  }
0x76: {  	[sflag:s12] =	ssyncadd.s32 $0xFFFFFC00  }
0x77: {  	[tilespmem:$0x2400] =	vst v0  }
0x78: {  	[tilespmem:$0x2410] =	vst v0  }
0x79: {  	[tilespmem:$0x2420] =	vst v0  }
0x7a: {  	[tilespmem:$0x2430] =	vst v0  }
0x7b: {  	[tilespmem:$0x2440] =	vst v0  }
0x7c: {  	[tilespmem:$0x2450] =	vst v0  }
0x7d: {  	[tilespmem:$0x2460] =	vst v0  }
0x7e: {  	[tilespmem:$0x2470] =	vst v0  }
0x7f: {  	[tilespmem:$0x2480] =	vst v0  }
0x80: {  	[tilespmem:$0x2490] =	vst v0  }
0x81: {  	[tilespmem:$0x24A0] =	vst v0  }
0x82: {  	[tilespmem:$0x24B0] =	vst v0  }
0x83: {  	[tilespmem:$0x24C0] =	vst v0  }
0x84: {  	[tilespmem:$0x24D0] =	vst v0  }
0x85: {  	[tilespmem:$0x24E0] =	vst v0  }
0x86: {  	[tilespmem:$0x24F0] =	vst v0  }
0x87: {  	[tilespmem:$0x2500] =	vst v0  }
0x88: {  	[tilespmem:$0x2510] =	vst v0  }
0x89: {  	[tilespmem:$0x2520] =	vst v0  }
0x8a: {  	[tilespmem:$0x2530] =	vst v0  }
0x8b: {  	[tilespmem:$0x2540] =	vst v0  }
0x8c: {  	[tilespmem:$0x2550] =	vst v0  }
0x8d: {  	[tilespmem:$0x2560] =	vst v0  }
0x8e: {  	[tilespmem:$0x2570] =	vst v0  }
0x8f: {  	[tilespmem:$0x2580] =	vst v0  }
0x90: {  	[tilespmem:$0x2590] =	vst v0  }
0x91: {  	[tilespmem:$0x25A0] =	vst v0  }
0x92: {  	[tilespmem:$0x25B0] =	vst v0  }
0x93: {  	[tilespmem:$0x25C0] =	vst v0  }
0x94: {  	[tilespmem:$0x25D0] =	vst v0  }
0x95: {  	[tilespmem:$0x25E0] =	vst v0  }
0x96: {  	[tilespmem:$0x25F0] =	vst v0  }
0x97: {  	[tilespmem:$0x2600] =	vst v0  }
0x98: {  	[tilespmem:$0x2610] =	vst v0  }
0x99: {  	[tilespmem:$0x2620] =	vst v0  }
0x9a: {  	[tilespmem:$0x2630] =	vst v0  }
0x9b: {  	[tilespmem:$0x2640] =	vst v0  }
0x9c: {  	[tilespmem:$0x2650] =	vst v0  }
0x9d: {  	[tilespmem:$0x2660] =	vst v0  }
0x9e: {  	[tilespmem:$0x2670] =	vst v0  }
0x9f: {  	[tilespmem:$0x2680] =	vst v0  }
0xa0: {  	[tilespmem:$0x2690] =	vst v0  }
0xa1: {  	[tilespmem:$0x26A0] =	vst v0  }
0xa2: {  	[tilespmem:$0x26B0] =	vst v0  }
0xa3: {  	[tilespmem:$0x26C0] =	vst v0  }
0xa4: {  	[tilespmem:$0x26D0] =	vst v0  }
0xa5: {  	[tilespmem:$0x26E0] =	vst v0  }
0xa6: {  	[tilespmem:$0x26F0] =	vst v0  }
0xa7: {  	[tilespmem:$0x2700] =	vst v0  }
0xa8: {  	[tilespmem:$0x2710] =	vst v0  }
0xa9: {  	[tilespmem:$0x2720] =	vst v0  }
0xaa: {  	[tilespmem:$0x2730] =	vst v0;
	v1 =	vld [tilespmem:$0x2000]  }
0xab: {  	[tilespmem:$0x2740] =	vst v0;
	v2 =	vld [tilespmem:$0x23F0]  }
0xac: {  	[tilespmem:$0x2750] =	vst v0  }
0xad: {  	[tilespmem:$0x2760] =	vst v0  }
0xae: {  	[tilespmem:$0x2770] =	vst v0  }
0xaf: {  	[tilespmem:$0x2780] =	vst v0;
	(v2sf) =	vpush v1, $0x0  }
0xb0: {  	[tilespmem:$0x2790] =	vst v0;
	(v2sf) =	vpush v2, $0xF  }
0xb1: {  	[tilespmem:$0x27A0] =	vst v0  }
0xb2: {  	[tilespmem:$0x27B0] =	vst v0  }
0xb3: {  	[tilespmem:$0x27C0] =	vst v0  }
0xb4: {  	[tilespmem:$0x27D0] =	vst v0  }
0xb5: {  	[tilespmem:$0x27E0] =	vst v0  }
0xb6: {  	[tilespmem:$0x27F0] =	vst v0  }
0xb7: {  	[tilespmem:$0x2800] =	vst v0  }
0xb8: {  	[tilespmem:$0x2810] =	vst v0  }
0xb9: {  	[tilespmem:$0x2820] =	vst v0  }
0xba: {  	[tilespmem:$0x2830] =	vst v0  }
0xbb: {  	[tilespmem:$0x2840] =	vst v0  }
0xbc: {  	[tilespmem:$0x2850] =	vst v0  }
0xbd: {  	[tilespmem:$0x2860] =	vst v0  }
0xbe: {  	[tilespmem:$0x2870] =	vst v0;
	s16 =	spop (v2sf)  }
0xbf: {  	[tilespmem:$0x2880] =	vst v0;
	s18 =	spop (v2sf)  }
0xc0: {  	[tilespmem:$0x2890] =	vst v0;
	s20 =	sadd.s32 $0x1, s18  }
0xc1: {  	[tilespmem:$0x28A0] =	vst v0;
	p0 =	sge.s32 s16, s20  }
.Ltmp2:
0xc2: {  	[tilespmem:$0x28B0] =	vst v0;
	(pc) =	sbr.rel @p0 .LBB2_5-.Ltmp2, $4  }
0xc3: {  	[tilespmem:$0x28C0] =	vst v0  }
0xc4: {  	[tilespmem:$0x28D0] =	vst v0  }
0xc5: {  	[tilespmem:$0x28E0] =	vst v0  }
0xc6: {  	[tilespmem:$0x28F0] =	vst v0  }
.LBB2_2:
0xc7: {  	s20 =	simm.s32 $0x0  }
0xc8: {  	s22 =	simm.s32 $0x2000;
	s24 =	sand.u32 $0x70, s20;
	s20 =	sand.u32 $0x1C00, s20  }
0xc9: {  	v1 =	vld [tilespmem:s22+$0x0];
	s24 =	sor.u32 s24, s20  }
0xca: {  	v2 =	vld [tilespmem:s24+$0x200]  }
0xcb: {  	v7 =	vld [tilespmem:s24+$0x0]  }
0xcc: {  	v8 =	vld [tilespmem:s24+$0x80]  }
0xcd: {  	v9 =	vld [tilespmem:s24+$0x100]  }
0xce: {  	s29 =	simm.s32 $0x10;
	s22 =	simm.s32 $0x2010;
	s20 =	simm.s32 $0x80  }
0xcf: {  	v3 =	vmov s16;
	s25 =	sand.u32 $0x70, s29;
	v6 =	vld [tilespmem:s22+$0x0];
	s28 =	sand.u32 $0x1C00, s20  }
0xd0: {  	v5 =	vld [tilespmem:s24+$0x180];
	s24 =	sor.u32 s25, s28;
	vm0 =	veq.s32 v1, v3  }
0xd1: {  	v4 =	vimm.f32 $0.0e+00;
	v10 =	vld [tilespmem:s24+$0x0];
	v1 =	vnsel vm0, $0x0, v2;
	v7 =	vnsel vm0, $0x0, v7  }
0xd2: {  	v2 =	vld [tilespmem:s24+$0x200];
	v8 =	vnsel vm0, $0x0, v8;
	v12 =	vnsel vm0, $0x0, v9;
	v1 =	vadd.f32 v1, v4  }
0xd3: {  	s25 =	simm.s32 $0x20;
	v11 =	vld [tilespmem:s24+$0x80];
	v9 =	vimm.f32 $0.0e+00;
	v7 =	vadd.f32 v7, v4;
	v8 =	vadd.f32 v8, v4  }
.LBB2_3:
0xd4: {  	s28 =	sand.u32 $0x70, s25  }
0xd5: {  	v13 =	vld [tilespmem:s24+$0x100];
	s20 =	sadd.s32 $0x80, s20;
	s22 =	sadd.s32 $0x10, s22;
	v4 =	vadd.f32 v12, v4;
	v12 =	vnsel vm0, $0x0, v5;
	p0 =	sne.s32 s25, $0x3F0  }
.Ltmp3:
0xd6: {  	s25 =	sadd.s32 $0x10, s25;
	s29 =	sand.u32 $0x1C00, s20;
	vm0 =	veq.s32 v6, v3;
	v5 =	vld [tilespmem:s24+$0x180];
	v9 =	vadd.f32 v12, v9;
	(pc) =	sbr.rel @p0 .LBB2_3-.Ltmp3, $4  }
0xd7: {  	v6 =	vld [tilespmem:s22+$0x0];
	s24 =	sor.u32 s28, s29;
	v12 =	vnsel vm0, $0x0, v2  }
0xd8: {  	v2 =	vld [tilespmem:s24+$0x200];
	v14 =	vnsel vm0, $0x0, v10;
	v1 =	vadd.f32 v12, v1  }
0xd9: {  	v10 =	vld [tilespmem:s24+$0x0];
	v7 =	vadd.f32 v14, v7;
	v12 =	vnsel vm0, $0x0, v11  }
0xda: {  	v11 =	vld [tilespmem:s24+$0x80];
	v8 =	vadd.f32 v12, v8;
	v12 =	vnsel vm0, $0x0, v13  }
0xdb: {  	v13 =	vld [tilespmem:s24+$0x100]  }
0xdc: {  	v14 =	vld [tilespmem:s24+$0x180];
	vm1 =	veq.s32 v6, v3  }
0xdd: {  	v2 =	vnsel vm1, $0x0, v2  }
0xde: {  	v4 =	vadd.f32 v12, v4;
	v61 =	vnsel vm1, $0x0, v10;
	v1 =	vadd.f32 v2, v1  }
0xdf: {  	s20 =	sshll.u32 s16, $0x4;
	p0 =	sne.s32 s16, s18;
	v3 =	vnsel vm0, $0x0, v5;
	v5 =	vadd.f32 v61, v7;
	v6 =	vnsel vm1, $0x0, v11  }
.Ltmp4:
0xe0: {  	v3 =	vadd.f32 v3, v9;
	v6 =	vadd.f32 v6, v8;
	v62 =	vnsel vm1, $0x0, v13;
	[tilespmem:s20+$0x2800] =	vst v1;
	(pc) =	sbr.rel @p0 .LBB2_2-.Ltmp4, $4  }
.Ltmp5:
0xe1: {  	v63 =	vnsel vm1, $0x0, v14;
	v4 =	vadd.f32 v62, v4;
	[tilespmem:s20+$0x2400] =	vst v5;
	(pc) =	sbr.rel @!p0 .LBB2_5-.Ltmp5, $4  }
0xe2: {  	v3 =	vadd.f32 v63, v3;
	[tilespmem:s20+$0x2500] =	vst v6  }
0xe3: {  	[tilespmem:s20+$0x2600] =	vst v4  }
0xe4: {  	s16 =	sadd.s32 $0x1, s16;
	[tilespmem:s20+$0x2700] =	vst v3  }
0xe5: {  	_ = 	snop  }
.LBB2_6:
0xe6: {  	_ =	sfence.sel $0x180000  }
0xe7: {  	[bflag:$0x0] =	sbarrier.arrive $0xFFFF  }
0xe8: {  	_ =	strace $0x90000047  }
0xe9: {  	s0 =	stileid.u32;
	[bflag:$0x2] =	sbarrier.arrive $0xFFFF  }
0xea: {  	p0 =	sne.s32 s0, $0x0;
	s0 =	rddreg [dreg:$0x2]  }
0xeb: {  	s0 =	sadd.s32 @!p0 $0x100000, s0  }
0xec: {  	[sflag:s0] =	ssyncadd.tile.s32 @!p0 $0x1;
	_ =	shalt  }
.Lfunc_end2:
_tile_overlayer_lowered:
.L_overlay_start_2:
0xed: {  	(tag) =	ssettag $0x2  }
0xee: {  	s0 =	rddreg [dreg:$0x0];
	s2 =	stileid.u32  }
0xef: {  	s1 =	rddreg [dreg:$0x1];
	p0 =	sne.s32 s2, $0x0  }
0xf0: {  	s3 =	rddreg [dreg:$0x2];
	[bflag:$0x3] =	sbarrier.arrive $0xFFFF;
	s2 =	simm.s32 @!p0 $0x1C01  }
0xf1: {  	[timem:s3], [sflag:s2] =	dma.local @!p0 [hbm:s0], s1  }
0xf2: {  	s0 =	simm.s32 @!p0 $0x1  }
0xf3: {  	_ =	swait.ge @!p0 [sflag:s0], s1  }
0xf4: {  	s1 =	ssub.s32 @!p0 $0x0, s1;
	[sflag:s0] =	ssyncset.done @!p0 $0x0  }
0xf5: {  	[sflag:s0] =	ssyncadd.s32 @!p0 s1  }
0xf6: {  	[bflag:$0x3] =	sbarrier.arrive $0xFFFF  }
0xf7: {  	_ =	shalt  }

</sc_bundles>
